<compile_context>
chip_gen: v7x
topology: tpu7x:2x2x1
jax: 0.10.2.dev20260603
libtpu: 0.0.44.dev20260713+nightly
codegen_flags: <defaults>
</compile_context>

<pallas_src>
import functools

import jax
import jax.numpy as jnp
from jax import lax
from jax.experimental import pallas as pl
from jax.experimental.pallas import tpu as pltpu
from jax.experimental.pallas import tpu_sc as plsc

N_NODES = 10000
NPAD = 10112
NC, NS = 2, 16
NW = NC * NS
ROWS_PER_TILE = NPAD // NS
CHUNK = 128
E_EDGES = 320000
NCH = 80
NCH2 = NCH // 2
EPW = NCH * CHUNK
EPAD = EPW * NW

_MESH = plsc.VectorSubcoreMesh(core_axis_name="c", subcore_axis_name="s")
_SC_PARAMS = pltpu.CompilerParams(use_tc_tiling_on_sc=False)


def _agg1_body(y_hbm, src_hbm, dst_hbm, z128_hbm, z16_hbm, ones_hbm,
               acc_hbm, deg_hbm,
               src_v, dst_v, rows_v, ones_v, a_sh, d_sh, sem):
    c = lax.axis_index("c")
    s = lax.axis_index("s")
    w = c * NS + s
    r0 = s * ROWS_PER_TILE
    pltpu.sync_copy(z128_hbm.at[pl.ds(r0, ROWS_PER_TILE)],
                    a_sh.at[pl.ds(r0, ROWS_PER_TILE)])
    pltpu.sync_copy(z16_hbm.at[pl.ds(r0, ROWS_PER_TILE)],
                    d_sh.at[pl.ds(r0, ROWS_PER_TILE)])
    pltpu.sync_copy(ones_hbm, ones_v)
    pltpu.sync_copy(src_hbm.at[pl.ds(w * NCH, NCH)], src_v)
    pltpu.sync_copy(dst_hbm.at[pl.ds(w * NCH, NCH)], dst_v)
    plsc.subcore_barrier()

    def body(j, carry):
        pltpu.async_copy(y_hbm.at[src_v.at[j]], rows_v, sem).wait()
        pltpu.sync_copy(rows_v, a_sh.at[dst_v.at[j]], add=True)
        pltpu.sync_copy(ones_v, d_sh.at[dst_v.at[j]], add=True)
        return carry

    lax.fori_loop(0, NCH, body, 0)
    plsc.subcore_barrier()
    out_r = c * NPAD + r0
    pltpu.sync_copy(a_sh.at[pl.ds(r0, ROWS_PER_TILE)],
                    acc_hbm.at[pl.ds(out_r, ROWS_PER_TILE)])
    pltpu.sync_copy(d_sh.at[pl.ds(r0, ROWS_PER_TILE)],
                    deg_hbm.at[pl.ds(out_r, ROWS_PER_TILE)])


_agg1 = pl.kernel(
    _agg1_body,
    mesh=_MESH,
    compiler_params=_SC_PARAMS,
    out_type=[
        jax.ShapeDtypeStruct((NC * NPAD, 128), jnp.float32),
        jax.ShapeDtypeStruct((NC * NPAD, 16), jnp.float32),
    ],
    scratch_types=[
        pltpu.VMEM((NCH, CHUNK), jnp.int32),
        pltpu.VMEM((NCH, CHUNK), jnp.int32),
        pltpu.VMEM((CHUNK, 128), jnp.float32),
        pltpu.VMEM((CHUNK, 16), jnp.float32),
        pltpu.VMEM_SHARED((NPAD, 128), jnp.float32),
        pltpu.VMEM_SHARED((NPAD, 16), jnp.float32),
        pltpu.SemaphoreType.DMA,
    ],
)


def _agg2_body(y_hbm, src_hbm, dst_hbm, z64_hbm,
               acc_hbm,
               src_v, dst_v, rows0, rows1, a_sh, sem0, sem1):
    c = lax.axis_index("c")
    s = lax.axis_index("s")
    w = c * NS + s
    r0 = s * ROWS_PER_TILE
    pltpu.sync_copy(z64_hbm.at[pl.ds(r0, ROWS_PER_TILE)],
                    a_sh.at[pl.ds(r0, ROWS_PER_TILE)])
    pltpu.sync_copy(src_hbm.at[pl.ds(w * NCH, NCH)], src_v)
    pltpu.sync_copy(dst_hbm.at[pl.ds(w * NCH, NCH)], dst_v)
    plsc.subcore_barrier()

    pltpu.async_copy(y_hbm.at[src_v.at[0]], rows0, sem0)
    pltpu.async_copy(y_hbm.at[src_v.at[1]], rows1, sem1)

    def body(i, carry):
        j = 2 * i
        pltpu.make_async_copy(y_hbm.at[src_v.at[j]], rows0, sem0).wait()
        pltpu.sync_copy(rows0, a_sh.at[dst_v.at[j]], add=True)

        @pl.when(i < NCH2 - 1)
        def _():
            pltpu.async_copy(y_hbm.at[src_v.at[j + 2]], rows0, sem0)

        pltpu.make_async_copy(y_hbm.at[src_v.at[j + 1]], rows1, sem1).wait()
        pltpu.sync_copy(rows1, a_sh.at[dst_v.at[j + 1]], add=True)

        @pl.when(i < NCH2 - 1)
        def _():
            pltpu.async_copy(y_hbm.at[src_v.at[j + 3]], rows1, sem1)

        return carry

    lax.fori_loop(0, NCH2, body, 0)
    plsc.subcore_barrier()
    out_r = c * NPAD + r0
    pltpu.sync_copy(a_sh.at[pl.ds(r0, ROWS_PER_TILE)],
                    acc_hbm.at[pl.ds(out_r, ROWS_PER_TILE)])


_agg2 = pl.kernel(
    _agg2_body,
    mesh=_MESH,
    compiler_params=_SC_PARAMS,
    out_type=jax.ShapeDtypeStruct((NC * NPAD, 64), jnp.float32),
    scratch_types=[
        pltpu.VMEM((NCH, CHUNK), jnp.int32),
        pltpu.VMEM((NCH, CHUNK), jnp.int32),
        pltpu.VMEM((CHUNK, 64), jnp.float32),
        pltpu.VMEM((CHUNK, 64), jnp.float32),
        pltpu.VMEM_SHARED((NPAD, 64), jnp.float32),
        pltpu.SemaphoreType.DMA,
        pltpu.SemaphoreType.DMA,
    ],
)


def _mm_body(x_ref, w_ref, o_ref):
    o_ref[...] = jnp.dot(x_ref[...], w_ref[...],
                         preferred_element_type=jnp.float32)


def _mm(x, w):
    return pl.pallas_call(
        _mm_body,
        out_shape=jax.ShapeDtypeStruct((x.shape[0], w.shape[1]), jnp.float32),
    )(x, w)


def _mid_body(p0, p1, y, d0, d1, b1r, w2, o_ref):
    d = d0[:, 0:1] + d1[:, 0:1]
    inv = 1.0 / (d + 1.0)
    h = jnp.maximum((p0[...] + p1[...] + y[...]) * inv + b1r[...], 0.0)
    o_ref[...] = jnp.dot(h, w2[...], preferred_element_type=jnp.float32)


def _mid(p0, p1, y, d0, d1, b1r, w2):
    return pl.pallas_call(
        _mid_body,
        out_shape=jax.ShapeDtypeStruct((y.shape[0], w2.shape[1]), jnp.float32),
    )(p0, p1, y, d0, d1, b1r, w2)


def _fin_body(q0, q1, y, d0, d1, b2r, o_ref):
    d = d0[:, 0:1] + d1[:, 0:1]
    inv = 1.0 / (d + 1.0)
    o_ref[...] = (q0[...] + q1[...] + y[...]) * inv + b2r[...]


def _fin(q0, q1, y, d0, d1, b2r):
    return pl.pallas_call(
        _fin_body,
        out_shape=jax.ShapeDtypeStruct(y.shape, jnp.float32),
    )(q0, q1, y, d0, d1, b2r)


def kernel(x, edge_index, W1, b1, W2, b2):
    n = x.shape[0]
    pad = EPAD - edge_index.shape[1]
    src_p = jnp.concatenate(
        [edge_index[0], jnp.zeros((pad,), jnp.int32)]).reshape(NW * NCH, CHUNK)
    dst_p = jnp.concatenate(
        [edge_index[1], jnp.full((pad,), n, jnp.int32)]).reshape(NW * NCH, CHUNK)
    z128 = jnp.zeros((NPAD, 128), jnp.float32)
    z64 = jnp.zeros((NPAD, 64), jnp.float32)
    z16 = jnp.zeros((NPAD, 16), jnp.float32)
    onesb = jnp.ones((CHUNK, 16), jnp.float32)

    y1 = _mm(x, W1)
    acc1, deg = _agg1(y1, src_p, dst_p, z128, z16, onesb)
    p0, p1 = acc1[:n], acc1[NPAD:NPAD + n]
    d0, d1 = deg[:n], deg[NPAD:NPAD + n]
    y2 = _mid(p0, p1, y1, d0, d1, b1.reshape(1, -1), W2)
    acc2 = _agg2(y2, src_p, dst_p, z64)
    q0, q1 = acc2[:n], acc2[NPAD:NPAD + n]
    return _fin(q0, q1, y2, d0, d1, b2.reshape(1, -1))

# --- scband reference (transcript-rebuilt; emitter-appended) ---
"""Pipeline reference for scband-graph-sage-20641612825048 (READ-ONLY COPY).

The authoritative reference and input builder live on the scoring server;
editing this copy changes nothing except your own understanding.
"""

import jax, jax.numpy as jnp
import numpy as np

N, E, F_IN, H, C = 10000, 320000, 128, 128, 64


def setup_inputs(seed: int = 0) -> dict:
    key = jax.random.key(seed)
    ks = jax.random.split(key, 6)
    x = jax.random.normal(ks[0], (N, F_IN), dtype=jnp.float32)
    edge_index = jax.random.randint(ks[1], (2, E), 0, N, dtype=jnp.int32)
    # SAGEConv 'gcn' aggregator parameters: single fc_neigh per layer (no fc_self)
    W1 = jax.random.normal(ks[2], (F_IN, H), dtype=jnp.float32) * (1.0 / np.sqrt(F_IN))
    b1 = jnp.zeros((H,), dtype=jnp.float32)
    W2 = jax.random.normal(ks[3], (H, C), dtype=jnp.float32) * (1.0 / np.sqrt(H))
    b2 = jnp.zeros((C,), dtype=jnp.float32)
    return {"x": x, "edge_index": edge_index, "W1": W1, "b1": b1, "W2": W2, "b2": b2}


def _sage_gcn_layer(h, src, dst, W, b):
    # DGL SAGEConv with aggregator_type='gcn':
    # h_i' = W * ( (sum_{j in N(i)} h_j + h_i) / (deg_i + 1) ) + b
    msgs = jnp.take(h, src, axis=0)
    agg = jax.ops.segment_sum(msgs, dst, num_segments=h.shape[0])
    deg = jax.ops.segment_sum(jnp.ones((src.shape[0],), dtype=h.dtype), dst, num_segments=h.shape[0])
    h_neigh = (agg + h) / (deg[:, None] + 1.0)
    return h_neigh @ W + b


def reference(x, edge_index, W1, b1, W2, b2):
    src = edge_index[0]
    dst = edge_index[1]
    # layer 1 + relu (dropout p=0.0 is identity)
    h = _sage_gcn_layer(x, src, dst, W1, b1)
    h = jax.nn.relu(h)
    # layer 2 (output layer, no activation)
    out = _sage_gcn_layer(h, src, dst, W2, b2)
    return out

if __name__ == "__main__":
    import jax
    _d = setup_inputs()
    print(jax.jit(kernel)(*tuple(_d.values())))

</pallas_src>

<mosaic_0001>
#map = affine_map<(d0, d1) -> (0, 0)>
module attributes {stable_mosaic.version = 14 : i64} {
  func.func @_agg2_body(%arg0: i32, %arg1: i32, %arg2: memref<10000x64xf32, #tpu.memory_space<hbm>>, %arg3: memref<2560x128xi32, #tpu.memory_space<hbm>>, %arg4: memref<2560x128xi32, #tpu.memory_space<hbm>>, %arg5: memref<10112x64xf32, #tpu.memory_space<hbm>>, %arg6: memref<20224x64xf32, #tpu.memory_space<hbm>>, %arg7: memref<80x128xi32, #tpu.memory_space<vmem>>, %arg8: memref<80x128xi32, #tpu.memory_space<vmem>>, %arg9: memref<128x64xf32, #tpu.memory_space<vmem>>, %arg10: memref<128x64xf32, #tpu.memory_space<vmem>>, %arg11: memref<10112x64xf32, #tpu.memory_space<vmem_shared>>, %arg12: memref<!tpu.dma_semaphore, #tpu.memory_space<semaphore_mem>>, %arg13: memref<!tpu.dma_semaphore, #tpu.memory_space<semaphore_mem>>) attributes {dimension_semantics = [#tpu.dimension_semantics<core_parallel>, #tpu.dimension_semantics<subcore_parallel>], iteration_bounds = array<i64: 2, 16>, scalar_prefetch = 0 : i64, scratch_operands = 7 : i64, tpu.core_type = #tpu.core_type<sc_vector_subcore>, window_params = [{transform_indices = #map}, {transform_indices = #map}, {transform_indices = #map}, {transform_indices = #map}, {transform_indices = #map}]} {
    %mul3A = arith.constant 16 : i32
    %mul3A_0 = arith.muli %arg0, %mul3A : i32
    %add3A = arith.addi %mul3A_0, %arg1 : i32
    %mul3A_1 = arith.constant 632 : i32
    %mul3A_2 = arith.muli %arg1, %mul3A_1 : i32
    "tpu.region"() ({
      %run_scoped3A = tpu.sem_alloc : memref<!tpu.dma_semaphore, #tpu.memory_space<semaphore_mem>>
      %dma_start3A_29 = arith.constant 0 : i32
      %dma_start3A_30 = tpu.memref_slice %arg11[%mul3A_2, %dma_start3A_29] : memref<10112x64xf32, #tpu.memory_space<vmem_shared>> -> memref<632x64xf32, #tpu.memory_space<vmem_shared>>
      %dma_start3A_31 = arith.constant 0 : i32
      %dma_start3A_32 = tpu.memref_slice %arg5[%mul3A_2, %dma_start3A_31] : memref<10112x64xf32, #tpu.memory_space<hbm>> -> memref<632x64xf32, #tpu.memory_space<hbm>>
      tpu.enqueue_dma source(%dma_start3A_32 : memref<632x64xf32, #tpu.memory_space<hbm>>) target(%dma_start3A_30 : memref<632x64xf32, #tpu.memory_space<vmem_shared>>) target_semaphore(%run_scoped3A : memref<!tpu.dma_semaphore, #tpu.memory_space<semaphore_mem>>)
      %dma_wait3A = arith.constant 0 : i32
      %dma_wait3A_33 = tpu.memref_slice %arg11[%mul3A_2, %dma_wait3A] : memref<10112x64xf32, #tpu.memory_space<vmem_shared>> -> memref<632x64xf32, #tpu.memory_space<vmem_shared>>
      %dma_wait3A_34 = arith.constant 0 : i32
      %dma_wait3A_35 = tpu.memref_slice %arg5[%mul3A_2, %dma_wait3A_34] : memref<10112x64xf32, #tpu.memory_space<hbm>> -> memref<632x64xf32, #tpu.memory_space<hbm>>
      tpu.wait_dma2 semaphore(%run_scoped3A : memref<!tpu.dma_semaphore, #tpu.memory_space<semaphore_mem>>) src(%dma_wait3A_35 : memref<632x64xf32, #tpu.memory_space<hbm>>) dst(%dma_wait3A_33 : memref<632x64xf32, #tpu.memory_space<vmem_shared>>)
      tpu.yield
    }) : () -> ()
    %mul3A_3 = arith.constant 80 : i32
    %mul3A_4 = arith.muli %add3A, %mul3A_3 : i32
    "tpu.region"() ({
      %run_scoped3A = tpu.sem_alloc : memref<!tpu.dma_semaphore, #tpu.memory_space<semaphore_mem>>
      %dma_start3A_29 = arith.constant 0 : i32
      %dma_start3A_30 = tpu.memref_slice %arg3[%mul3A_4, %dma_start3A_29] : memref<2560x128xi32, #tpu.memory_space<hbm>> -> memref<80x128xi32, #tpu.memory_space<hbm>>
      %dma_start3A_31 = arith.constant 0 : i32
      %dma_start3A_32 = tpu.memref_slice %arg3[%mul3A_4, %dma_start3A_31] : memref<2560x128xi32, #tpu.memory_space<hbm>> -> memref<80x128xi32, #tpu.memory_space<hbm>>
      tpu.enqueue_dma source(%dma_start3A_32 : memref<80x128xi32, #tpu.memory_space<hbm>>) target(%arg7 : memref<80x128xi32, #tpu.memory_space<vmem>>) target_semaphore(%run_scoped3A : memref<!tpu.dma_semaphore, #tpu.memory_space<semaphore_mem>>)
      %dma_wait3A = arith.constant 0 : i32
      %dma_wait3A_33 = tpu.memref_slice %arg3[%mul3A_4, %dma_wait3A] : memref<2560x128xi32, #tpu.memory_space<hbm>> -> memref<80x128xi32, #tpu.memory_space<hbm>>
      %dma_wait3A_34 = arith.constant 0 : i32
      %dma_wait3A_35 = tpu.memref_slice %arg3[%mul3A_4, %dma_wait3A_34] : memref<2560x128xi32, #tpu.memory_space<hbm>> -> memref<80x128xi32, #tpu.memory_space<hbm>>
      tpu.wait_dma2 semaphore(%run_scoped3A : memref<!tpu.dma_semaphore, #tpu.memory_space<semaphore_mem>>) src(%dma_wait3A_35 : memref<80x128xi32, #tpu.memory_space<hbm>>) dst(%arg7 : memref<80x128xi32, #tpu.memory_space<vmem>>)
      tpu.yield
    }) : () -> ()
    %mul3A_5 = arith.constant 80 : i32
    %mul3A_6 = arith.muli %add3A, %mul3A_5 : i32
    "tpu.region"() ({
      %run_scoped3A = tpu.sem_alloc : memref<!tpu.dma_semaphore, #tpu.memory_space<semaphore_mem>>
      %dma_start3A_29 = arith.constant 0 : i32
      %dma_start3A_30 = tpu.memref_slice %arg4[%mul3A_6, %dma_start3A_29] : memref<2560x128xi32, #tpu.memory_space<hbm>> -> memref<80x128xi32, #tpu.memory_space<hbm>>
      %dma_start3A_31 = arith.constant 0 : i32
      %dma_start3A_32 = tpu.memref_slice %arg4[%mul3A_6, %dma_start3A_31] : memref<2560x128xi32, #tpu.memory_space<hbm>> -> memref<80x128xi32, #tpu.memory_space<hbm>>
      tpu.enqueue_dma source(%dma_start3A_32 : memref<80x128xi32, #tpu.memory_space<hbm>>) target(%arg8 : memref<80x128xi32, #tpu.memory_space<vmem>>) target_semaphore(%run_scoped3A : memref<!tpu.dma_semaphore, #tpu.memory_space<semaphore_mem>>)
      %dma_wait3A = arith.constant 0 : i32
      %dma_wait3A_33 = tpu.memref_slice %arg4[%mul3A_6, %dma_wait3A] : memref<2560x128xi32, #tpu.memory_space<hbm>> -> memref<80x128xi32, #tpu.memory_space<hbm>>
      %dma_wait3A_34 = arith.constant 0 : i32
      %dma_wait3A_35 = tpu.memref_slice %arg4[%mul3A_6, %dma_wait3A_34] : memref<2560x128xi32, #tpu.memory_space<hbm>> -> memref<80x128xi32, #tpu.memory_space<hbm>>
      tpu.wait_dma2 semaphore(%run_scoped3A : memref<!tpu.dma_semaphore, #tpu.memory_space<semaphore_mem>>) src(%dma_wait3A_35 : memref<80x128xi32, #tpu.memory_space<hbm>>) dst(%arg8 : memref<80x128xi32, #tpu.memory_space<vmem>>)
      tpu.yield
    }) : () -> ()
    %barrier3A = arith.constant 0 : index
    tpu.barrier barrier_id(%barrier3A)
    %dma_start3A = arith.constant 0 : i32
    %dma_start3A_7 = arith.constant 0 : i32
    %dma_start3A_8 = tpu.memref_slice %arg7[%dma_start3A, %dma_start3A_7] : memref<80x128xi32, #tpu.memory_space<vmem>> -> memref<1x128xi32, #tpu.memory_space<vmem>>
    %dma_start3A_9 = tpu.memref_squeeze %dma_start3A_8 : memref<1x128xi32, #tpu.memory_space<vmem>> -> memref<128xi32, #tpu.memory_space<vmem>>
    %dma_start3A_10 = arith.constant 0 : i32
    %dma_start3A_11 = arith.constant 0 : i32
    %dma_start3A_12 = tpu.memref_slice %arg2[%dma_start3A_10, %dma_start3A_11] : memref<10000x64xf32, #tpu.memory_space<hbm>> -> memref<10000x64xf32, #tpu.memory_space<hbm>>
    tpu.enqueue_indirect_dma source(%dma_start3A_12 : memref<10000x64xf32, #tpu.memory_space<hbm>>) target(%arg9 : memref<128x64xf32, #tpu.memory_space<vmem>>) offsets(%dma_start3A_9 : memref<128xi32, #tpu.memory_space<vmem>>) semaphore(%arg12 : memref<!tpu.dma_semaphore, #tpu.memory_space<semaphore_mem>>)
    %dma_start3A_13 = arith.constant 1 : i32
    %dma_start3A_14 = arith.constant 0 : i32
    %dma_start3A_15 = tpu.memref_slice %arg7[%dma_start3A_13, %dma_start3A_14] : memref<80x128xi32, #tpu.memory_space<vmem>> -> memref<1x128xi32, #tpu.memory_space<vmem>>
    %dma_start3A_16 = tpu.memref_squeeze %dma_start3A_15 : memref<1x128xi32, #tpu.memory_space<vmem>> -> memref<128xi32, #tpu.memory_space<vmem>>
    %dma_start3A_17 = arith.constant 0 : i32
    %dma_start3A_18 = arith.constant 0 : i32
    %dma_start3A_19 = tpu.memref_slice %arg2[%dma_start3A_17, %dma_start3A_18] : memref<10000x64xf32, #tpu.memory_space<hbm>> -> memref<10000x64xf32, #tpu.memory_space<hbm>>
    tpu.enqueue_indirect_dma source(%dma_start3A_19 : memref<10000x64xf32, #tpu.memory_space<hbm>>) target(%arg10 : memref<128x64xf32, #tpu.memory_space<vmem>>) offsets(%dma_start3A_16 : memref<128xi32, #tpu.memory_space<vmem>>) semaphore(%arg13 : memref<!tpu.dma_semaphore, #tpu.memory_space<semaphore_mem>>)
    %scan3A = arith.constant 0 : i32
    %scan3A_20 = arith.constant 0 : i32
    %scan3A_21 = arith.constant 40 : i32
    %scan3A_22 = arith.addi %scan3A_20, %scan3A_21 : i32
    %scan3A_23 = arith.constant 1 : i32
    scf.for %scan3A_29 = %scan3A_20 to %scan3A_22 step %scan3A_23  : i32 {
      %mul3A_30 = arith.constant 2 : i32
      %mul3A_31 = arith.muli %mul3A_30, %scan3A_29 : i32
      %dma_wait3A = arith.constant 0 : i32
      %dma_wait3A_32 = tpu.memref_slice %arg7[%mul3A_31, %dma_wait3A] : memref<80x128xi32, #tpu.memory_space<vmem>> -> memref<1x128xi32, #tpu.memory_space<vmem>>
      %dma_wait3A_33 = tpu.memref_squeeze %dma_wait3A_32 : memref<1x128xi32, #tpu.memory_space<vmem>> -> memref<128xi32, #tpu.memory_space<vmem>>
      %dma_wait3A_34 = arith.constant 0 : i32
      %dma_wait3A_35 = arith.constant 0 : i32
      %dma_wait3A_36 = tpu.memref_slice %arg2[%dma_wait3A_34, %dma_wait3A_35] : memref<10000x64xf32, #tpu.memory_space<hbm>> -> memref<10000x64xf32, #tpu.memory_space<hbm>>
      tpu.wait_indirect_dma semaphore(%arg12 : memref<!tpu.dma_semaphore, #tpu.memory_space<semaphore_mem>>) src(%dma_wait3A_36 : memref<10000x64xf32, #tpu.memory_space<hbm>>) dst(%arg9 : memref<128x64xf32, #tpu.memory_space<vmem>>)
      "tpu.region"() ({
        %run_scoped3A = tpu.sem_alloc : memref<!tpu.dma_semaphore, #tpu.memory_space<semaphore_mem>>
        %dma_start3A_54 = arith.constant 0 : i32
        %dma_start3A_55 = tpu.memref_slice %arg8[%mul3A_31, %dma_start3A_54] : memref<80x128xi32, #tpu.memory_space<vmem>> -> memref<1x128xi32, #tpu.memory_space<vmem>>
        %dma_start3A_56 = tpu.memref_squeeze %dma_start3A_55 : memref<1x128xi32, #tpu.memory_space<vmem>> -> memref<128xi32, #tpu.memory_space<vmem>>
        %dma_start3A_57 = arith.constant 0 : i32
        %dma_start3A_58 = arith.constant 0 : i32
        %dma_start3A_59 = tpu.memref_slice %arg11[%dma_start3A_57, %dma_start3A_58] : memref<10112x64xf32, #tpu.memory_space<vmem_shared>> -> memref<10112x64xf32, #tpu.memory_space<vmem_shared>>
        tpu.enqueue_indirect_dma source(%arg9 : memref<128x64xf32, #tpu.memory_space<vmem>>) target(%dma_start3A_59 : memref<10112x64xf32, #tpu.memory_space<vmem_shared>>) offsets(%dma_start3A_56 : memref<128xi32, #tpu.memory_space<vmem>>) semaphore(%run_scoped3A : memref<!tpu.dma_semaphore, #tpu.memory_space<semaphore_mem>>) {add = true}
        %dma_wait3A_60 = arith.constant 0 : i32
        %dma_wait3A_61 = tpu.memref_slice %arg8[%mul3A_31, %dma_wait3A_60] : memref<80x128xi32, #tpu.memory_space<vmem>> -> memref<1x128xi32, #tpu.memory_space<vmem>>
        %dma_wait3A_62 = tpu.memref_squeeze %dma_wait3A_61 : memref<1x128xi32, #tpu.memory_space<vmem>> -> memref<128xi32, #tpu.memory_space<vmem>>
        %dma_wait3A_63 = arith.constant 0 : i32
        %dma_wait3A_64 = arith.constant 0 : i32
        %dma_wait3A_65 = tpu.memref_slice %arg11[%dma_wait3A_63, %dma_wait3A_64] : memref<10112x64xf32, #tpu.memory_space<vmem_shared>> -> memref<10112x64xf32, #tpu.memory_space<vmem_shared>>
        tpu.wait_indirect_dma semaphore(%run_scoped3A : memref<!tpu.dma_semaphore, #tpu.memory_space<semaphore_mem>>) src(%arg9 : memref<128x64xf32, #tpu.memory_space<vmem>>) dst(%dma_wait3A_65 : memref<10112x64xf32, #tpu.memory_space<vmem_shared>>)
        tpu.yield
      }) : () -> ()
      %lt3A = arith.constant 39 : i32
      %lt3A_37 = arith.cmpi slt, %scan3A_29, %lt3A : i32
      %convert_element_type3A = arith.extui %lt3A_37 : i1 to i32
      %cond3A = arith.constant 0 : i32
      %cond3A_38 = arith.cmpi ne, %convert_element_type3A, %cond3A : i32
      scf.if %cond3A_38 {
        %add3A_54 = arith.constant 2 : i32
        %add3A_55 = arith.addi %mul3A_31, %add3A_54 : i32
        %dma_start3A_56 = arith.constant 0 : i32
        %dma_start3A_57 = tpu.memref_slice %arg7[%add3A_55, %dma_start3A_56] : memref<80x128xi32, #tpu.memory_space<vmem>> -> memref<1x128xi32, #tpu.memory_space<vmem>>
        %dma_start3A_58 = tpu.memref_squeeze %dma_start3A_57 : memref<1x128xi32, #tpu.memory_space<vmem>> -> memref<128xi32, #tpu.memory_space<vmem>>
        %dma_start3A_59 = arith.constant 0 : i32
        %dma_start3A_60 = arith.constant 0 : i32
        %dma_start3A_61 = tpu.memref_slice %arg2[%dma_start3A_59, %dma_start3A_60] : memref<10000x64xf32, #tpu.memory_space<hbm>> -> memref<10000x64xf32, #tpu.memory_space<hbm>>
        tpu.enqueue_indirect_dma source(%dma_start3A_61 : memref<10000x64xf32, #tpu.memory_space<hbm>>) target(%arg9 : memref<128x64xf32, #tpu.memory_space<vmem>>) offsets(%dma_start3A_58 : memref<128xi32, #tpu.memory_space<vmem>>) semaphore(%arg12 : memref<!tpu.dma_semaphore, #tpu.memory_space<semaphore_mem>>)
      } else {
      }
      %add3A_39 = arith.constant 1 : i32
      %add3A_40 = arith.addi %mul3A_31, %add3A_39 : i32
      %dma_wait3A_41 = arith.constant 0 : i32
      %dma_wait3A_42 = tpu.memref_slice %arg7[%add3A_40, %dma_wait3A_41] : memref<80x128xi32, #tpu.memory_space<vmem>> -> memref<1x128xi32, #tpu.memory_space<vmem>>
      %dma_wait3A_43 = tpu.memref_squeeze %dma_wait3A_42 : memref<1x128xi32, #tpu.memory_space<vmem>> -> memref<128xi32, #tpu.memory_space<vmem>>
      %dma_wait3A_44 = arith.constant 0 : i32
      %dma_wait3A_45 = arith.constant 0 : i32
      %dma_wait3A_46 = tpu.memref_slice %arg2[%dma_wait3A_44, %dma_wait3A_45] : memref<10000x64xf32, #tpu.memory_space<hbm>> -> memref<10000x64xf32, #tpu.memory_space<hbm>>
      tpu.wait_indirect_dma semaphore(%arg13 : memref<!tpu.dma_semaphore, #tpu.memory_space<semaphore_mem>>) src(%dma_wait3A_46 : memref<10000x64xf32, #tpu.memory_space<hbm>>) dst(%arg10 : memref<128x64xf32, #tpu.memory_space<vmem>>)
      %add3A_47 = arith.constant 1 : i32
      %add3A_48 = arith.addi %mul3A_31, %add3A_47 : i32
      "tpu.region"() ({
        %run_scoped3A = tpu.sem_alloc : memref<!tpu.dma_semaphore, #tpu.memory_space<semaphore_mem>>
        %dma_start3A_54 = arith.constant 0 : i32
        %dma_start3A_55 = tpu.memref_slice %arg8[%add3A_48, %dma_start3A_54] : memref<80x128xi32, #tpu.memory_space<vmem>> -> memref<1x128xi32, #tpu.memory_space<vmem>>
        %dma_start3A_56 = tpu.memref_squeeze %dma_start3A_55 : memref<1x128xi32, #tpu.memory_space<vmem>> -> memref<128xi32, #tpu.memory_space<vmem>>
        %dma_start3A_57 = arith.constant 0 : i32
        %dma_start3A_58 = arith.constant 0 : i32
        %dma_start3A_59 = tpu.memref_slice %arg11[%dma_start3A_57, %dma_start3A_58] : memref<10112x64xf32, #tpu.memory_space<vmem_shared>> -> memref<10112x64xf32, #tpu.memory_space<vmem_shared>>
        tpu.enqueue_indirect_dma source(%arg10 : memref<128x64xf32, #tpu.memory_space<vmem>>) target(%dma_start3A_59 : memref<10112x64xf32, #tpu.memory_space<vmem_shared>>) offsets(%dma_start3A_56 : memref<128xi32, #tpu.memory_space<vmem>>) semaphore(%run_scoped3A : memref<!tpu.dma_semaphore, #tpu.memory_space<semaphore_mem>>) {add = true}
        %dma_wait3A_60 = arith.constant 0 : i32
        %dma_wait3A_61 = tpu.memref_slice %arg8[%add3A_48, %dma_wait3A_60] : memref<80x128xi32, #tpu.memory_space<vmem>> -> memref<1x128xi32, #tpu.memory_space<vmem>>
        %dma_wait3A_62 = tpu.memref_squeeze %dma_wait3A_61 : memref<1x128xi32, #tpu.memory_space<vmem>> -> memref<128xi32, #tpu.memory_space<vmem>>
        %dma_wait3A_63 = arith.constant 0 : i32
        %dma_wait3A_64 = arith.constant 0 : i32
        %dma_wait3A_65 = tpu.memref_slice %arg11[%dma_wait3A_63, %dma_wait3A_64] : memref<10112x64xf32, #tpu.memory_space<vmem_shared>> -> memref<10112x64xf32, #tpu.memory_space<vmem_shared>>
        tpu.wait_indirect_dma semaphore(%run_scoped3A : memref<!tpu.dma_semaphore, #tpu.memory_space<semaphore_mem>>) src(%arg10 : memref<128x64xf32, #tpu.memory_space<vmem>>) dst(%dma_wait3A_65 : memref<10112x64xf32, #tpu.memory_space<vmem_shared>>)
        tpu.yield
      }) : () -> ()
      %lt3A_49 = arith.constant 39 : i32
      %lt3A_50 = arith.cmpi slt, %scan3A_29, %lt3A_49 : i32
      %convert_element_type3A_51 = arith.extui %lt3A_50 : i1 to i32
      %cond3A_52 = arith.constant 0 : i32
      %cond3A_53 = arith.cmpi ne, %convert_element_type3A_51, %cond3A_52 : i32
      scf.if %cond3A_53 {
        %add3A_54 = arith.constant 3 : i32
        %add3A_55 = arith.addi %mul3A_31, %add3A_54 : i32
        %dma_start3A_56 = arith.constant 0 : i32
        %dma_start3A_57 = tpu.memref_slice %arg7[%add3A_55, %dma_start3A_56] : memref<80x128xi32, #tpu.memory_space<vmem>> -> memref<1x128xi32, #tpu.memory_space<vmem>>
        %dma_start3A_58 = tpu.memref_squeeze %dma_start3A_57 : memref<1x128xi32, #tpu.memory_space<vmem>> -> memref<128xi32, #tpu.memory_space<vmem>>
        %dma_start3A_59 = arith.constant 0 : i32
        %dma_start3A_60 = arith.constant 0 : i32
        %dma_start3A_61 = tpu.memref_slice %arg2[%dma_start3A_59, %dma_start3A_60] : memref<10000x64xf32, #tpu.memory_space<hbm>> -> memref<10000x64xf32, #tpu.memory_space<hbm>>
        tpu.enqueue_indirect_dma source(%dma_start3A_61 : memref<10000x64xf32, #tpu.memory_space<hbm>>) target(%arg10 : memref<128x64xf32, #tpu.memory_space<vmem>>) offsets(%dma_start3A_58 : memref<128xi32, #tpu.memory_space<vmem>>) semaphore(%arg13 : memref<!tpu.dma_semaphore, #tpu.memory_space<semaphore_mem>>)
      } else {
      }
    }
    %scan3A_24 = arith.constant 40 : i32
    %barrier3A_25 = arith.constant 0 : index
    tpu.barrier barrier_id(%barrier3A_25)
    %mul3A_26 = arith.constant 10112 : i32
    %mul3A_27 = arith.muli %arg0, %mul3A_26 : i32
    %add3A_28 = arith.addi %mul3A_27, %mul3A_2 : i32
    "tpu.region"() ({
      %run_scoped3A = tpu.sem_alloc : memref<!tpu.dma_semaphore, #tpu.memory_space<semaphore_mem>>
      %dma_start3A_29 = arith.constant 0 : i32
      %dma_start3A_30 = tpu.memref_slice %arg6[%add3A_28, %dma_start3A_29] : memref<20224x64xf32, #tpu.memory_space<hbm>> -> memref<632x64xf32, #tpu.memory_space<hbm>>
      %dma_start3A_31 = arith.constant 0 : i32
      %dma_start3A_32 = tpu.memref_slice %arg11[%mul3A_2, %dma_start3A_31] : memref<10112x64xf32, #tpu.memory_space<vmem_shared>> -> memref<632x64xf32, #tpu.memory_space<vmem_shared>>
      tpu.enqueue_dma source(%dma_start3A_32 : memref<632x64xf32, #tpu.memory_space<vmem_shared>>) target(%dma_start3A_30 : memref<632x64xf32, #tpu.memory_space<hbm>>) target_semaphore(%run_scoped3A : memref<!tpu.dma_semaphore, #tpu.memory_space<semaphore_mem>>)
      %dma_wait3A = arith.constant 0 : i32
      %dma_wait3A_33 = tpu.memref_slice %arg6[%add3A_28, %dma_wait3A] : memref<20224x64xf32, #tpu.memory_space<hbm>> -> memref<632x64xf32, #tpu.memory_space<hbm>>
      %dma_wait3A_34 = arith.constant 0 : i32
      %dma_wait3A_35 = tpu.memref_slice %arg11[%mul3A_2, %dma_wait3A_34] : memref<10112x64xf32, #tpu.memory_space<vmem_shared>> -> memref<632x64xf32, #tpu.memory_space<vmem_shared>>
      tpu.wait_dma2 semaphore(%run_scoped3A : memref<!tpu.dma_semaphore, #tpu.memory_space<semaphore_mem>>) src(%dma_wait3A_35 : memref<632x64xf32, #tpu.memory_space<vmem_shared>>) dst(%dma_wait3A_33 : memref<632x64xf32, #tpu.memory_space<hbm>>)
      tpu.yield
    }) : () -> ()
    return
  }
}

#map = affine_map<(d0, d1) -> (0, 0)>
module attributes {stable_mosaic.version = 14 : i64} {
  func.func @_agg1_body(%arg0: i32, %arg1: i32, %arg2: memref<10000x128xf32, #tpu.memory_space<hbm>>, %arg3: memref<2560x128xi32, #tpu.memory_space<hbm>>, %arg4: memref<2560x128xi32, #tpu.memory_space<hbm>>, %arg5: memref<10112x128xf32, #tpu.memory_space<hbm>>, %arg6: memref<10112x16xf32, #tpu.memory_space<hbm>>, %arg7: memref<128x16xf32, #tpu.memory_space<hbm>>, %arg8: memref<20224x128xf32, #tpu.memory_space<hbm>>, %arg9: memref<20224x16xf32, #tpu.memory_space<hbm>>, %arg10: memref<80x128xi32, #tpu.memory_space<vmem>>, %arg11: memref<80x128xi32, #tpu.memory_space<vmem>>, %arg12: memref<128x128xf32, #tpu.memory_space<vmem>>, %arg13: memref<128x16xf32, #tpu.memory_space<vmem>>, %arg14: memref<10112x128xf32, #tpu.memory_space<vmem_shared>>, %arg15: memref<10112x16xf32, #tpu.memory_space<vmem_shared>>, %arg16: memref<!tpu.dma_semaphore, #tpu.memory_space<semaphore_mem>>) attributes {dimension_semantics = [#tpu.dimension_semantics<core_parallel>, #tpu.dimension_semantics<subcore_parallel>], iteration_bounds = array<i64: 2, 16>, scalar_prefetch = 0 : i64, scratch_operands = 7 : i64, tpu.core_type = #tpu.core_type<sc_vector_subcore>, window_params = [{transform_indices = #map}, {transform_indices = #map}, {transform_indices = #map}, {transform_indices = #map}, {transform_indices = #map}, {transform_indices = #map}, {transform_indices = #map}, {transform_indices = #map}]} {
    %mul3A = arith.constant 16 : i32
    %mul3A_0 = arith.muli %arg0, %mul3A : i32
    %add3A = arith.addi %mul3A_0, %arg1 : i32
    %mul3A_1 = arith.constant 632 : i32
    %mul3A_2 = arith.muli %arg1, %mul3A_1 : i32
    "tpu.region"() ({
      %run_scoped3A = tpu.sem_alloc : memref<!tpu.dma_semaphore, #tpu.memory_space<semaphore_mem>>
      %dma_start3A = arith.constant 0 : i32
      %dma_start3A_16 = tpu.memref_slice %arg14[%mul3A_2, %dma_start3A] : memref<10112x128xf32, #tpu.memory_space<vmem_shared>> -> memref<632x128xf32, #tpu.memory_space<vmem_shared>>
      %dma_start3A_17 = arith.constant 0 : i32
      %dma_start3A_18 = tpu.memref_slice %arg5[%mul3A_2, %dma_start3A_17] : memref<10112x128xf32, #tpu.memory_space<hbm>> -> memref<632x128xf32, #tpu.memory_space<hbm>>
      tpu.enqueue_dma source(%dma_start3A_18 : memref<632x128xf32, #tpu.memory_space<hbm>>) target(%dma_start3A_16 : memref<632x128xf32, #tpu.memory_space<vmem_shared>>) target_semaphore(%run_scoped3A : memref<!tpu.dma_semaphore, #tpu.memory_space<semaphore_mem>>)
      %dma_wait3A = arith.constant 0 : i32
      %dma_wait3A_19 = tpu.memref_slice %arg14[%mul3A_2, %dma_wait3A] : memref<10112x128xf32, #tpu.memory_space<vmem_shared>> -> memref<632x128xf32, #tpu.memory_space<vmem_shared>>
      %dma_wait3A_20 = arith.constant 0 : i32
      %dma_wait3A_21 = tpu.memref_slice %arg5[%mul3A_2, %dma_wait3A_20] : memref<10112x128xf32, #tpu.memory_space<hbm>> -> memref<632x128xf32, #tpu.memory_space<hbm>>
      tpu.wait_dma2 semaphore(%run_scoped3A : memref<!tpu.dma_semaphore, #tpu.memory_space<semaphore_mem>>) src(%dma_wait3A_21 : memref<632x128xf32, #tpu.memory_space<hbm>>) dst(%dma_wait3A_19 : memref<632x128xf32, #tpu.memory_space<vmem_shared>>)
      tpu.yield
    }) : () -> ()
    "tpu.region"() ({
      %run_scoped3A = tpu.sem_alloc : memref<!tpu.dma_semaphore, #tpu.memory_space<semaphore_mem>>
      %dma_start3A = arith.constant 0 : i32
      %dma_start3A_16 = tpu.memref_slice %arg15[%mul3A_2, %dma_start3A] : memref<10112x16xf32, #tpu.memory_space<vmem_shared>> -> memref<632x16xf32, #tpu.memory_space<vmem_shared>>
      %dma_start3A_17 = arith.constant 0 : i32
      %dma_start3A_18 = tpu.memref_slice %arg6[%mul3A_2, %dma_start3A_17] : memref<10112x16xf32, #tpu.memory_space<hbm>> -> memref<632x16xf32, #tpu.memory_space<hbm>>
      tpu.enqueue_dma source(%dma_start3A_18 : memref<632x16xf32, #tpu.memory_space<hbm>>) target(%dma_start3A_16 : memref<632x16xf32, #tpu.memory_space<vmem_shared>>) target_semaphore(%run_scoped3A : memref<!tpu.dma_semaphore, #tpu.memory_space<semaphore_mem>>)
      %dma_wait3A = arith.constant 0 : i32
      %dma_wait3A_19 = tpu.memref_slice %arg15[%mul3A_2, %dma_wait3A] : memref<10112x16xf32, #tpu.memory_space<vmem_shared>> -> memref<632x16xf32, #tpu.memory_space<vmem_shared>>
      %dma_wait3A_20 = arith.constant 0 : i32
      %dma_wait3A_21 = tpu.memref_slice %arg6[%mul3A_2, %dma_wait3A_20] : memref<10112x16xf32, #tpu.memory_space<hbm>> -> memref<632x16xf32, #tpu.memory_space<hbm>>
      tpu.wait_dma2 semaphore(%run_scoped3A : memref<!tpu.dma_semaphore, #tpu.memory_space<semaphore_mem>>) src(%dma_wait3A_21 : memref<632x16xf32, #tpu.memory_space<hbm>>) dst(%dma_wait3A_19 : memref<632x16xf32, #tpu.memory_space<vmem_shared>>)
      tpu.yield
    }) : () -> ()
    "tpu.region"() ({
      %run_scoped3A = tpu.sem_alloc : memref<!tpu.dma_semaphore, #tpu.memory_space<semaphore_mem>>
      tpu.enqueue_dma source(%arg7 : memref<128x16xf32, #tpu.memory_space<hbm>>) target(%arg13 : memref<128x16xf32, #tpu.memory_space<vmem>>) target_semaphore(%run_scoped3A : memref<!tpu.dma_semaphore, #tpu.memory_space<semaphore_mem>>)
      tpu.wait_dma2 semaphore(%run_scoped3A : memref<!tpu.dma_semaphore, #tpu.memory_space<semaphore_mem>>) src(%arg7 : memref<128x16xf32, #tpu.memory_space<hbm>>) dst(%arg13 : memref<128x16xf32, #tpu.memory_space<vmem>>)
      tpu.yield
    }) : () -> ()
    %mul3A_3 = arith.constant 80 : i32
    %mul3A_4 = arith.muli %add3A, %mul3A_3 : i32
    "tpu.region"() ({
      %run_scoped3A = tpu.sem_alloc : memref<!tpu.dma_semaphore, #tpu.memory_space<semaphore_mem>>
      %dma_start3A = arith.constant 0 : i32
      %dma_start3A_16 = tpu.memref_slice %arg3[%mul3A_4, %dma_start3A] : memref<2560x128xi32, #tpu.memory_space<hbm>> -> memref<80x128xi32, #tpu.memory_space<hbm>>
      %dma_start3A_17 = arith.constant 0 : i32
      %dma_start3A_18 = tpu.memref_slice %arg3[%mul3A_4, %dma_start3A_17] : memref<2560x128xi32, #tpu.memory_space<hbm>> -> memref<80x128xi32, #tpu.memory_space<hbm>>
      tpu.enqueue_dma source(%dma_start3A_18 : memref<80x128xi32, #tpu.memory_space<hbm>>) target(%arg10 : memref<80x128xi32, #tpu.memory_space<vmem>>) target_semaphore(%run_scoped3A : memref<!tpu.dma_semaphore, #tpu.memory_space<semaphore_mem>>)
      %dma_wait3A = arith.constant 0 : i32
      %dma_wait3A_19 = tpu.memref_slice %arg3[%mul3A_4, %dma_wait3A] : memref<2560x128xi32, #tpu.memory_space<hbm>> -> memref<80x128xi32, #tpu.memory_space<hbm>>
      %dma_wait3A_20 = arith.constant 0 : i32
      %dma_wait3A_21 = tpu.memref_slice %arg3[%mul3A_4, %dma_wait3A_20] : memref<2560x128xi32, #tpu.memory_space<hbm>> -> memref<80x128xi32, #tpu.memory_space<hbm>>
      tpu.wait_dma2 semaphore(%run_scoped3A : memref<!tpu.dma_semaphore, #tpu.memory_space<semaphore_mem>>) src(%dma_wait3A_21 : memref<80x128xi32, #tpu.memory_space<hbm>>) dst(%arg10 : memref<80x128xi32, #tpu.memory_space<vmem>>)
      tpu.yield
    }) : () -> ()
    %mul3A_5 = arith.constant 80 : i32
    %mul3A_6 = arith.muli %add3A, %mul3A_5 : i32
    "tpu.region"() ({
      %run_scoped3A = tpu.sem_alloc : memref<!tpu.dma_semaphore, #tpu.memory_space<semaphore_mem>>
      %dma_start3A = arith.constant 0 : i32
      %dma_start3A_16 = tpu.memref_slice %arg4[%mul3A_6, %dma_start3A] : memref<2560x128xi32, #tpu.memory_space<hbm>> -> memref<80x128xi32, #tpu.memory_space<hbm>>
      %dma_start3A_17 = arith.constant 0 : i32
      %dma_start3A_18 = tpu.memref_slice %arg4[%mul3A_6, %dma_start3A_17] : memref<2560x128xi32, #tpu.memory_space<hbm>> -> memref<80x128xi32, #tpu.memory_space<hbm>>
      tpu.enqueue_dma source(%dma_start3A_18 : memref<80x128xi32, #tpu.memory_space<hbm>>) target(%arg11 : memref<80x128xi32, #tpu.memory_space<vmem>>) target_semaphore(%run_scoped3A : memref<!tpu.dma_semaphore, #tpu.memory_space<semaphore_mem>>)
      %dma_wait3A = arith.constant 0 : i32
      %dma_wait3A_19 = tpu.memref_slice %arg4[%mul3A_6, %dma_wait3A] : memref<2560x128xi32, #tpu.memory_space<hbm>> -> memref<80x128xi32, #tpu.memory_space<hbm>>
      %dma_wait3A_20 = arith.constant 0 : i32
      %dma_wait3A_21 = tpu.memref_slice %arg4[%mul3A_6, %dma_wait3A_20] : memref<2560x128xi32, #tpu.memory_space<hbm>> -> memref<80x128xi32, #tpu.memory_space<hbm>>
      tpu.wait_dma2 semaphore(%run_scoped3A : memref<!tpu.dma_semaphore, #tpu.memory_space<semaphore_mem>>) src(%dma_wait3A_21 : memref<80x128xi32, #tpu.memory_space<hbm>>) dst(%arg11 : memref<80x128xi32, #tpu.memory_space<vmem>>)
      tpu.yield
    }) : () -> ()
    %barrier3A = arith.constant 0 : index
    tpu.barrier barrier_id(%barrier3A)
    %scan3A = arith.constant 0 : i32
    %scan3A_7 = arith.constant 0 : i32
    %scan3A_8 = arith.constant 80 : i32
    %scan3A_9 = arith.addi %scan3A_7, %scan3A_8 : i32
    %scan3A_10 = arith.constant 1 : i32
    scf.for %scan3A_16 = %scan3A_7 to %scan3A_9 step %scan3A_10  : i32 {
      %dma_start3A = arith.constant 0 : i32
      %dma_start3A_17 = tpu.memref_slice %arg10[%scan3A_16, %dma_start3A] : memref<80x128xi32, #tpu.memory_space<vmem>> -> memref<1x128xi32, #tpu.memory_space<vmem>>
      %dma_start3A_18 = tpu.memref_squeeze %dma_start3A_17 : memref<1x128xi32, #tpu.memory_space<vmem>> -> memref<128xi32, #tpu.memory_space<vmem>>
      %dma_start3A_19 = arith.constant 0 : i32
      %dma_start3A_20 = arith.constant 0 : i32
      %dma_start3A_21 = tpu.memref_slice %arg2[%dma_start3A_19, %dma_start3A_20] : memref<10000x128xf32, #tpu.memory_space<hbm>> -> memref<10000x128xf32, #tpu.memory_space<hbm>>
      tpu.enqueue_indirect_dma source(%dma_start3A_21 : memref<10000x128xf32, #tpu.memory_space<hbm>>) target(%arg12 : memref<128x128xf32, #tpu.memory_space<vmem>>) offsets(%dma_start3A_18 : memref<128xi32, #tpu.memory_space<vmem>>) semaphore(%arg16 : memref<!tpu.dma_semaphore, #tpu.memory_space<semaphore_mem>>)
      %dma_wait3A = arith.constant 0 : i32
      %dma_wait3A_22 = tpu.memref_slice %arg10[%scan3A_16, %dma_wait3A] : memref<80x128xi32, #tpu.memory_space<vmem>> -> memref<1x128xi32, #tpu.memory_space<vmem>>
      %dma_wait3A_23 = tpu.memref_squeeze %dma_wait3A_22 : memref<1x128xi32, #tpu.memory_space<vmem>> -> memref<128xi32, #tpu.memory_space<vmem>>
      %dma_wait3A_24 = arith.constant 0 : i32
      %dma_wait3A_25 = arith.constant 0 : i32
      %dma_wait3A_26 = tpu.memref_slice %arg2[%dma_wait3A_24, %dma_wait3A_25] : memref<10000x128xf32, #tpu.memory_space<hbm>> -> memref<10000x128xf32, #tpu.memory_space<hbm>>
      tpu.wait_indirect_dma semaphore(%arg16 : memref<!tpu.dma_semaphore, #tpu.memory_space<semaphore_mem>>) src(%dma_wait3A_26 : memref<10000x128xf32, #tpu.memory_space<hbm>>) dst(%arg12 : memref<128x128xf32, #tpu.memory_space<vmem>>)
      "tpu.region"() ({
        %run_scoped3A = tpu.sem_alloc : memref<!tpu.dma_semaphore, #tpu.memory_space<semaphore_mem>>
        %dma_start3A_27 = arith.constant 0 : i32
        %dma_start3A_28 = tpu.memref_slice %arg11[%scan3A_16, %dma_start3A_27] : memref<80x128xi32, #tpu.memory_space<vmem>> -> memref<1x128xi32, #tpu.memory_space<vmem>>
        %dma_start3A_29 = tpu.memref_squeeze %dma_start3A_28 : memref<1x128xi32, #tpu.memory_space<vmem>> -> memref<128xi32, #tpu.memory_space<vmem>>
        %dma_start3A_30 = arith.constant 0 : i32
        %dma_start3A_31 = arith.constant 0 : i32
        %dma_start3A_32 = tpu.memref_slice %arg14[%dma_start3A_30, %dma_start3A_31] : memref<10112x128xf32, #tpu.memory_space<vmem_shared>> -> memref<10112x128xf32, #tpu.memory_space<vmem_shared>>
        tpu.enqueue_indirect_dma source(%arg12 : memref<128x128xf32, #tpu.memory_space<vmem>>) target(%dma_start3A_32 : memref<10112x128xf32, #tpu.memory_space<vmem_shared>>) offsets(%dma_start3A_29 : memref<128xi32, #tpu.memory_space<vmem>>) semaphore(%run_scoped3A : memref<!tpu.dma_semaphore, #tpu.memory_space<semaphore_mem>>) {add = true}
        %dma_wait3A_33 = arith.constant 0 : i32
        %dma_wait3A_34 = tpu.memref_slice %arg11[%scan3A_16, %dma_wait3A_33] : memref<80x128xi32, #tpu.memory_space<vmem>> -> memref<1x128xi32, #tpu.memory_space<vmem>>
        %dma_wait3A_35 = tpu.memref_squeeze %dma_wait3A_34 : memref<1x128xi32, #tpu.memory_space<vmem>> -> memref<128xi32, #tpu.memory_space<vmem>>
        %dma_wait3A_36 = arith.constant 0 : i32
        %dma_wait3A_37 = arith.constant 0 : i32
        %dma_wait3A_38 = tpu.memref_slice %arg14[%dma_wait3A_36, %dma_wait3A_37] : memref<10112x128xf32, #tpu.memory_space<vmem_shared>> -> memref<10112x128xf32, #tpu.memory_space<vmem_shared>>
        tpu.wait_indirect_dma semaphore(%run_scoped3A : memref<!tpu.dma_semaphore, #tpu.memory_space<semaphore_mem>>) src(%arg12 : memref<128x128xf32, #tpu.memory_space<vmem>>) dst(%dma_wait3A_38 : memref<10112x128xf32, #tpu.memory_space<vmem_shared>>)
        tpu.yield
      }) : () -> ()
      "tpu.region"() ({
        %run_scoped3A = tpu.sem_alloc : memref<!tpu.dma_semaphore, #tpu.memory_space<semaphore_mem>>
        %dma_start3A_27 = arith.constant 0 : i32
        %dma_start3A_28 = tpu.memref_slice %arg11[%scan3A_16, %dma_start3A_27] : memref<80x128xi32, #tpu.memory_space<vmem>> -> memref<1x128xi32, #tpu.memory_space<vmem>>
        %dma_start3A_29 = tpu.memref_squeeze %dma_start3A_28 : memref<1x128xi32, #tpu.memory_space<vmem>> -> memref<128xi32, #tpu.memory_space<vmem>>
        %dma_start3A_30 = arith.constant 0 : i32
        %dma_start3A_31 = arith.constant 0 : i32
        %dma_start3A_32 = tpu.memref_slice %arg15[%dma_start3A_30, %dma_start3A_31] : memref<10112x16xf32, #tpu.memory_space<vmem_shared>> -> memref<10112x16xf32, #tpu.memory_space<vmem_shared>>
        tpu.enqueue_indirect_dma source(%arg13 : memref<128x16xf32, #tpu.memory_space<vmem>>) target(%dma_start3A_32 : memref<10112x16xf32, #tpu.memory_space<vmem_shared>>) offsets(%dma_start3A_29 : memref<128xi32, #tpu.memory_space<vmem>>) semaphore(%run_scoped3A : memref<!tpu.dma_semaphore, #tpu.memory_space<semaphore_mem>>) {add = true}
        %dma_wait3A_33 = arith.constant 0 : i32
        %dma_wait3A_34 = tpu.memref_slice %arg11[%scan3A_16, %dma_wait3A_33] : memref<80x128xi32, #tpu.memory_space<vmem>> -> memref<1x128xi32, #tpu.memory_space<vmem>>
        %dma_wait3A_35 = tpu.memref_squeeze %dma_wait3A_34 : memref<1x128xi32, #tpu.memory_space<vmem>> -> memref<128xi32, #tpu.memory_space<vmem>>
        %dma_wait3A_36 = arith.constant 0 : i32
        %dma_wait3A_37 = arith.constant 0 : i32
        %dma_wait3A_38 = tpu.memref_slice %arg15[%dma_wait3A_36, %dma_wait3A_37] : memref<10112x16xf32, #tpu.memory_space<vmem_shared>> -> memref<10112x16xf32, #tpu.memory_space<vmem_shared>>
        tpu.wait_indirect_dma semaphore(%run_scoped3A : memref<!tpu.dma_semaphore, #tpu.memory_space<semaphore_mem>>) src(%arg13 : memref<128x16xf32, #tpu.memory_space<vmem>>) dst(%dma_wait3A_38 : memref<10112x16xf32, #tpu.memory_space<vmem_shared>>)
        tpu.yield
      }) : () -> ()
    }
    %scan3A_11 = arith.constant 80 : i32
    %barrier3A_12 = arith.constant 0 : index
    tpu.barrier barrier_id(%barrier3A_12)
    %mul3A_13 = arith.constant 10112 : i32
    %mul3A_14 = arith.muli %arg0, %mul3A_13 : i32
    %add3A_15 = arith.addi %mul3A_14, %mul3A_2 : i32
    "tpu.region"() ({
      %run_scoped3A = tpu.sem_alloc : memref<!tpu.dma_semaphore, #tpu.memory_space<semaphore_mem>>
      %dma_start3A = arith.constant 0 : i32
      %dma_start3A_16 = tpu.memref_slice %arg8[%add3A_15, %dma_start3A] : memref<20224x128xf32, #tpu.memory_space<hbm>> -> memref<632x128xf32, #tpu.memory_space<hbm>>
      %dma_start3A_17 = arith.constant 0 : i32
      %dma_start3A_18 = tpu.memref_slice %arg14[%mul3A_2, %dma_start3A_17] : memref<10112x128xf32, #tpu.memory_space<vmem_shared>> -> memref<632x128xf32, #tpu.memory_space<vmem_shared>>
      tpu.enqueue_dma source(%dma_start3A_18 : memref<632x128xf32, #tpu.memory_space<vmem_shared>>) target(%dma_start3A_16 : memref<632x128xf32, #tpu.memory_space<hbm>>) target_semaphore(%run_scoped3A : memref<!tpu.dma_semaphore, #tpu.memory_space<semaphore_mem>>)
      %dma_wait3A = arith.constant 0 : i32
      %dma_wait3A_19 = tpu.memref_slice %arg8[%add3A_15, %dma_wait3A] : memref<20224x128xf32, #tpu.memory_space<hbm>> -> memref<632x128xf32, #tpu.memory_space<hbm>>
      %dma_wait3A_20 = arith.constant 0 : i32
      %dma_wait3A_21 = tpu.memref_slice %arg14[%mul3A_2, %dma_wait3A_20] : memref<10112x128xf32, #tpu.memory_space<vmem_shared>> -> memref<632x128xf32, #tpu.memory_space<vmem_shared>>
      tpu.wait_dma2 semaphore(%run_scoped3A : memref<!tpu.dma_semaphore, #tpu.memory_space<semaphore_mem>>) src(%dma_wait3A_21 : memref<632x128xf32, #tpu.memory_space<vmem_shared>>) dst(%dma_wait3A_19 : memref<632x128xf32, #tpu.memory_space<hbm>>)
      tpu.yield
    }) : () -> ()
    "tpu.region"() ({
      %run_scoped3A = tpu.sem_alloc : memref<!tpu.dma_semaphore, #tpu.memory_space<semaphore_mem>>
      %dma_start3A = arith.constant 0 : i32
      %dma_start3A_16 = tpu.memref_slice %arg9[%add3A_15, %dma_start3A] : memref<20224x16xf32, #tpu.memory_space<hbm>> -> memref<632x16xf32, #tpu.memory_space<hbm>>
      %dma_start3A_17 = arith.constant 0 : i32
      %dma_start3A_18 = tpu.memref_slice %arg15[%mul3A_2, %dma_start3A_17] : memref<10112x16xf32, #tpu.memory_space<vmem_shared>> -> memref<632x16xf32, #tpu.memory_space<vmem_shared>>
      tpu.enqueue_dma source(%dma_start3A_18 : memref<632x16xf32, #tpu.memory_space<vmem_shared>>) target(%dma_start3A_16 : memref<632x16xf32, #tpu.memory_space<hbm>>) target_semaphore(%run_scoped3A : memref<!tpu.dma_semaphore, #tpu.memory_space<semaphore_mem>>)
      %dma_wait3A = arith.constant 0 : i32
      %dma_wait3A_19 = tpu.memref_slice %arg9[%add3A_15, %dma_wait3A] : memref<20224x16xf32, #tpu.memory_space<hbm>> -> memref<632x16xf32, #tpu.memory_space<hbm>>
      %dma_wait3A_20 = arith.constant 0 : i32
      %dma_wait3A_21 = tpu.memref_slice %arg15[%mul3A_2, %dma_wait3A_20] : memref<10112x16xf32, #tpu.memory_space<vmem_shared>> -> memref<632x16xf32, #tpu.memory_space<vmem_shared>>
      tpu.wait_dma2 semaphore(%run_scoped3A : memref<!tpu.dma_semaphore, #tpu.memory_space<semaphore_mem>>) src(%dma_wait3A_21 : memref<632x16xf32, #tpu.memory_space<vmem_shared>>) dst(%dma_wait3A_19 : memref<632x16xf32, #tpu.memory_space<hbm>>)
      tpu.yield
    }) : () -> ()
    return
  }
}

module attributes {stable_mosaic.version = 14 : i64} {
  func.func @_mm_body(%arg0: memref<10000x128xf32, #tpu.memory_space<vmem>>, %arg1: memref<128x128xf32, #tpu.memory_space<vmem>>, %arg2: memref<10000x128xf32, #tpu.memory_space<vmem>>) attributes {dimension_semantics = [], scalar_prefetch = 0 : i64, scratch_operands = 0 : i64, tpu.core_type = #tpu.core_type<tc>} {
    %get3A = arith.constant 0 : index
    %get3A_0 = arith.constant 0 : index
    %get3A_1 = vector.load %arg0[%get3A, %get3A_0] : memref<10000x128xf32, #tpu.memory_space<vmem>>, vector<10000x128xf32>
    %get3A_2 = arith.constant 0 : index
    %get3A_3 = arith.constant 0 : index
    %get3A_4 = vector.load %arg1[%get3A_2, %get3A_3] : memref<128x128xf32, #tpu.memory_space<vmem>>, vector<128x128xf32>
    %dot_general3A = arith.constant dense<0.000000e+00> : vector<10000x128xf32>
    %dot_general3A_5 = tpu.matmul %get3A_1, %get3A_4, %dot_general3A {dimension_numbers = #tpu.dot_dimension_numbers<[1], [0], [0], [1], [0, 0, 1, 1], [], []>, transpose_lhs_hint = false} : vector<10000x128xf32>, vector<128x128xf32>, vector<10000x128xf32> -> vector<10000x128xf32>
    %swap3A = arith.constant 0 : index
    %swap3A_6 = arith.constant 0 : index
    %swap3A_7 = vector.load %arg2[%swap3A, %swap3A_6] : memref<10000x128xf32, #tpu.memory_space<vmem>>, vector<10000x128xf32>
    tpu.vector_store %arg2[%swap3A, %swap3A_6], %dot_general3A_5 {strides = array<i32>} : memref<10000x128xf32, #tpu.memory_space<vmem>>, vector<10000x128xf32>,
    return
  }
}

module attributes {stable_mosaic.version = 14 : i64} {
  func.func @_mid_body(%arg0: memref<10000x128xf32, #tpu.memory_space<vmem>>, %arg1: memref<10000x128xf32, #tpu.memory_space<vmem>>, %arg2: memref<10000x128xf32, #tpu.memory_space<vmem>>, %arg3: memref<10000x16xf32, #tpu.memory_space<vmem>>, %arg4: memref<10000x16xf32, #tpu.memory_space<vmem>>, %arg5: memref<1x128xf32, #tpu.memory_space<vmem>>, %arg6: memref<128x64xf32, #tpu.memory_space<vmem>>, %arg7: memref<10000x64xf32, #tpu.memory_space<vmem>>) attributes {dimension_semantics = [], scalar_prefetch = 0 : i64, scratch_operands = 0 : i64, tpu.core_type = #tpu.core_type<tc>} {
    %get3A = arith.constant 0 : index
    %get3A_0 = arith.constant 0 : index
    %get3A_1 = vector.load %arg3[%get3A, %get3A_0] : memref<10000x16xf32, #tpu.memory_space<vmem>>, vector<10000x1xf32>
    %get3A_2 = arith.constant 0 : index
    %get3A_3 = arith.constant 0 : index
    %get3A_4 = vector.load %arg4[%get3A_2, %get3A_3] : memref<10000x16xf32, #tpu.memory_space<vmem>>, vector<10000x1xf32>
    %add3A = arith.addf %get3A_1, %get3A_4 : vector<10000x1xf32>
    %add3A_5 = arith.constant 1.000000e+00 : f32
    %add3A_6 = vector.broadcast %add3A_5 : f32 to vector<10000x1xf32>
    %add3A_7 = arith.addf %add3A, %add3A_6 : vector<10000x1xf32>
    %div3A = arith.constant 1.000000e+00 : f32
    %div3A_8 = vector.broadcast %div3A : f32 to vector<10000x1xf32>
    %div3A_9 = arith.divf %div3A_8, %add3A_7 : vector<10000x1xf32>
    %get3A_10 = arith.constant 0 : index
    %get3A_11 = arith.constant 0 : index
    %get3A_12 = vector.load %arg0[%get3A_10, %get3A_11] : memref<10000x128xf32, #tpu.memory_space<vmem>>, vector<10000x128xf32>
    %get3A_13 = arith.constant 0 : index
    %get3A_14 = arith.constant 0 : index
    %get3A_15 = vector.load %arg1[%get3A_13, %get3A_14] : memref<10000x128xf32, #tpu.memory_space<vmem>>, vector<10000x128xf32>
    %add3A_16 = arith.addf %get3A_12, %get3A_15 : vector<10000x128xf32>
    %get3A_17 = arith.constant 0 : index
    %get3A_18 = arith.constant 0 : index
    %get3A_19 = vector.load %arg2[%get3A_17, %get3A_18] : memref<10000x128xf32, #tpu.memory_space<vmem>>, vector<10000x128xf32>
    %add3A_20 = arith.addf %add3A_16, %get3A_19 : vector<10000x128xf32>
    %mul3A = vector.broadcast %div3A_9 : vector<10000x1xf32> to vector<10000x128xf32>
    %mul3A_21 = arith.mulf %add3A_20, %mul3A : vector<10000x128xf32>
    %get3A_22 = arith.constant 0 : index
    %get3A_23 = arith.constant 0 : index
    %get3A_24 = vector.load %arg5[%get3A_22, %get3A_23] : memref<1x128xf32, #tpu.memory_space<vmem>>, vector<1x128xf32>
    %add3A_25 = vector.broadcast %get3A_24 : vector<1x128xf32> to vector<10000x128xf32>
    %add3A_26 = arith.addf %mul3A_21, %add3A_25 : vector<10000x128xf32>
    %max3A = arith.constant 0.000000e+00 : f32
    %max3A_27 = vector.broadcast %max3A : f32 to vector<10000x128xf32>
    %max3A_28 = arith.maximumf %add3A_26, %max3A_27 : vector<10000x128xf32>
    %get3A_29 = arith.constant 0 : index
    %get3A_30 = arith.constant 0 : index
    %get3A_31 = vector.load %arg6[%get3A_29, %get3A_30] : memref<128x64xf32, #tpu.memory_space<vmem>>, vector<128x64xf32>
    %dot_general3A = arith.constant dense<0.000000e+00> : vector<10000x64xf32>
    %dot_general3A_32 = tpu.matmul %max3A_28, %get3A_31, %dot_general3A {dimension_numbers = #tpu.dot_dimension_numbers<[1], [0], [0], [1], [0, 0, 1, 1], [], []>, transpose_lhs_hint = false} : vector<10000x128xf32>, vector<128x64xf32>, vector<10000x64xf32> -> vector<10000x64xf32>
    %swap3A = arith.constant 0 : index
    %swap3A_33 = arith.constant 0 : index
    %swap3A_34 = vector.load %arg7[%swap3A, %swap3A_33] : memref<10000x64xf32, #tpu.memory_space<vmem>>, vector<10000x64xf32>
    tpu.vector_store %arg7[%swap3A, %swap3A_33], %dot_general3A_32 {strides = array<i32>} : memref<10000x64xf32, #tpu.memory_space<vmem>>, vector<10000x64xf32>,
    return
  }
}

module attributes {stable_mosaic.version = 14 : i64} {
  func.func @_fin_body(%arg0: memref<10000x64xf32, #tpu.memory_space<vmem>>, %arg1: memref<10000x64xf32, #tpu.memory_space<vmem>>, %arg2: memref<10000x64xf32, #tpu.memory_space<vmem>>, %arg3: memref<10000x16xf32, #tpu.memory_space<vmem>>, %arg4: memref<10000x16xf32, #tpu.memory_space<vmem>>, %arg5: memref<1x64xf32, #tpu.memory_space<vmem>>, %arg6: memref<10000x64xf32, #tpu.memory_space<vmem>>) attributes {dimension_semantics = [], scalar_prefetch = 0 : i64, scratch_operands = 0 : i64, tpu.core_type = #tpu.core_type<tc>} {
    %get3A = arith.constant 0 : index
    %get3A_0 = arith.constant 0 : index
    %get3A_1 = vector.load %arg3[%get3A, %get3A_0] : memref<10000x16xf32, #tpu.memory_space<vmem>>, vector<10000x1xf32>
    %get3A_2 = arith.constant 0 : index
    %get3A_3 = arith.constant 0 : index
    %get3A_4 = vector.load %arg4[%get3A_2, %get3A_3] : memref<10000x16xf32, #tpu.memory_space<vmem>>, vector<10000x1xf32>
    %add3A = arith.addf %get3A_1, %get3A_4 : vector<10000x1xf32>
    %add3A_5 = arith.constant 1.000000e+00 : f32
    %add3A_6 = vector.broadcast %add3A_5 : f32 to vector<10000x1xf32>
    %add3A_7 = arith.addf %add3A, %add3A_6 : vector<10000x1xf32>
    %div3A = arith.constant 1.000000e+00 : f32
    %div3A_8 = vector.broadcast %div3A : f32 to vector<10000x1xf32>
    %div3A_9 = arith.divf %div3A_8, %add3A_7 : vector<10000x1xf32>
    %get3A_10 = arith.constant 0 : index
    %get3A_11 = arith.constant 0 : index
    %get3A_12 = vector.load %arg0[%get3A_10, %get3A_11] : memref<10000x64xf32, #tpu.memory_space<vmem>>, vector<10000x64xf32>
    %get3A_13 = arith.constant 0 : index
    %get3A_14 = arith.constant 0 : index
    %get3A_15 = vector.load %arg1[%get3A_13, %get3A_14] : memref<10000x64xf32, #tpu.memory_space<vmem>>, vector<10000x64xf32>
    %add3A_16 = arith.addf %get3A_12, %get3A_15 : vector<10000x64xf32>
    %get3A_17 = arith.constant 0 : index
    %get3A_18 = arith.constant 0 : index
    %get3A_19 = vector.load %arg2[%get3A_17, %get3A_18] : memref<10000x64xf32, #tpu.memory_space<vmem>>, vector<10000x64xf32>
    %add3A_20 = arith.addf %add3A_16, %get3A_19 : vector<10000x64xf32>
    %mul3A = vector.broadcast %div3A_9 : vector<10000x1xf32> to vector<10000x64xf32>
    %mul3A_21 = arith.mulf %add3A_20, %mul3A : vector<10000x64xf32>
    %get3A_22 = arith.constant 0 : index
    %get3A_23 = arith.constant 0 : index
    %get3A_24 = vector.load %arg5[%get3A_22, %get3A_23] : memref<1x64xf32, #tpu.memory_space<vmem>>, vector<1x64xf32>
    %add3A_25 = vector.broadcast %get3A_24 : vector<1x64xf32> to vector<10000x64xf32>
    %add3A_26 = arith.addf %mul3A_21, %add3A_25 : vector<10000x64xf32>
    %swap3A = arith.constant 0 : index
    %swap3A_27 = arith.constant 0 : index
    %swap3A_28 = vector.load %arg6[%swap3A, %swap3A_27] : memref<10000x64xf32, #tpu.memory_space<vmem>>, vector<10000x64xf32>
    tpu.vector_store %arg6[%swap3A, %swap3A_27], %add3A_26 {strides = array<i32>} : memref<10000x64xf32, #tpu.memory_space<vmem>>, vector<10000x64xf32>,
    return
  }
}

</mosaic_0001>

<sc_bundles>
// kernel: kernel.10.cloned.1.call-start
scs
__scs_entry_jumppad:
0x0: {  	(pc) =	sbr.rel $0x88, $3  }
0x1: {  	(tag) =	ssettag $0x0;
	lr =	simm.s32 $0x1  }
0x2: {  	[smem:$0x3F9B] =	sst lr;
	_ =	strace $0xD0000000  }
0x3: {  	_ = 	snop  }
0x4: {  	_ = 	snop  }
0x5: {  	_ = 	snop  }
0x6: {  	_ = 	snop  }
0x7: {  	_ = 	snop  }
__scs_overlays_trampoline_lowered:
0x8: {  	[smem:$0x3FAA] =	sst s0  }
0x9: {  	[smem:$0x3FAB] =	sst s1  }
0xa: {  	[smem:$0x3FAC] =	sst s2  }
0xb: {  	[smem:$0x3FAD] =	sst s3  }
0xc: {  	[smem:$0x3FAE] =	sst s4  }
0xd: {  	[smem:$0x3FAF] =	sst s5  }
0xe: {  	[smem:$0x3FB0] =	sst s6  }
0xf: {  	[smem:$0x3FB1] =	sst s7  }
0x10: {  	[smem:$0x3FB2] =	sst s8  }
0x11: {  	[smem:$0x3FB3] =	sst s9;
	s0 =	simm.s32 @!p0 $0x0  }
0x12: {  	s1 =	sld [smem:$0x3F99];
	s0 =	simm.s32 @p0 $0x1  }
0x13: {  	[smem:$0x3FB4] =	sst s0;
	s0 =	simm.s32 @!p1 $0x0  }
0x14: {  	s2 =	sld [smem:$0x3F98];
	s0 =	simm.s32 @p1 $0x1  }
0x15: {  	[smem:$0x3FB5] =	sst s0;
	s0 =	simm.s32 @!p2 $0x0  }
0x16: {  	s3 =	sld [smem:$0x3FDB];
	s0 =	simm.s32 @p2 $0x1  }
0x17: {  	s4 =	simm.s32 $0x1BF5;
	[smem:$0x3FB7] =	sst s0  }
0x18: {  	s0 =	sld [smem:$0x3F9A];
	_ =	swait.ge [sflag:s4], $0x0  }
0x19: {  	s7 =	sld [smem:$0x3F9B]  }
0x1a: {  	s8 =	sadd.s32 $0xFFFFE003, lr  }
0x1b: {  	s9 =	sadd.s32 $0xFFFFFEF7, lr;
	s5 =	simm.s32 $0xFFFFFFFF;
	p2 =	slt.u32 s8, $0xFFFFF086  }
0x1c: {  	p1 =	slt.u32 s9, $0xF7A;
	s5 =	simm.s32 @!p2 $0x0  }
0x1d: {  	s5 =	simm.s32 @p1 $0x1;
	p0 =	seq.s32 s7, s2  }
0x1e: {  	s7 =	smul.u32 @!p0 $0xF7A, s2;
	p2 =	seq.s32 @!p0 s5, $0x0  }
0x1f: {  	s9 =	smul.u32 $0xF7A, s1;
	s8 =	simm.s32 @!p0 $0x1BF5;
	p2 =	por !p2, p0  }
0x20: {  	[sflag:s8] =	ssyncset.s32 @!p0 $0xFFFFF086;
	s6 =	sadd.s32 @!p0 s3, s7;
	s7 =	simm.s32 @!p0 $0x108  }
0x21: {  	s3 =	sadd.s32 s3, s9;
	s6 =	sadd.s32 @!p0 $0x88, s6;
	s7 =	simm.s32 @p2 $0x1082  }
0x22: {  	[simem:s7], [sflag:s8] =	dma.local @!p0 [hbm:s6], $0xF7A  }
0x23: {  	s9 =	sor.u32 $0xD0000000, s2;
	s6 =	simm.s32 $0x108;
	_ =	swait.ge @!p0 [sflag:s8], $0x0  }
0x24: {  	s3 =	sadd.s32 $0x88, s3;
	s6 =	simm.s32 @!p1 $0x1082;
	[sflag:s4] =	ssyncset.s32 $0xFFFFF086  }
0x25: {  	[simem:s6], [sflag:s4] =	dma.local [hbm:s3], $0xF7A  }
0x26: {  	[smem:$0x3F9B] =	sst s1;
	(tag) =	ssettag s2;
	_ =	strace s9  }
0x27: {  	s1 =	sld [smem:$0x3FAB]  }
0x28: {  	s2 =	sld [smem:$0x3FAC]  }
0x29: {  	s4 =	sld [smem:$0x3FAE]  }
0x2a: {  	p0 =	seq.s32 s5, $0x0;
	s5 =	sld [smem:$0x3FAF]  }
0x2b: {  	s6 =	sld [smem:$0x3FB0]  }
0x2c: {  	s7 =	sld [smem:$0x3FB1]  }
0x2d: {  	s3 =	simm.s32 $0x108;
	s8 =	sld [smem:$0x3FB2]  }
0x2e: {  	s3 =	simm.s32 @!p0 $0x1082;
	s9 =	sld [smem:$0x3FB3]  }
0x2f: {  	lr =	sadd.s32 s0, s3;
	s0 =	sld [smem:$0x3FAA]  }
0x30: {  	s3 =	sld [smem:$0x3FAD]  }
0x31: {  	[smem:$0x3FB6] =	sst s10  }
0x32: {  	s10 =	sld [smem:$0x3FB4];
	_ =	sdelay $0x3  }
0x33: {  	p0 =	seq.s32 s10, $0x1;
	s10 =	sld [smem:$0x3FB6];
	_ =	sdelay $0x3  }
0x34: {  	[smem:$0x3FB6] =	sst s10  }
0x35: {  	s10 =	sld [smem:$0x3FB5];
	_ =	sdelay $0x3  }
0x36: {  	p1 =	seq.s32 s10, $0x1;
	s10 =	sld [smem:$0x3FB6];
	_ =	sdelay $0x3  }
0x37: {  	[smem:$0x3FB6] =	sst s10  }
0x38: {  	s10 =	sld [smem:$0x3FB7]  }
0x39: {  	_ = 	snop;
	(pc) =	sbr.ind lr, $3  }
0x3a: {  	_ = 	snop  }
0x3b: {  	_ = 	snop  }
0x3c: {  	p2 =	seq.s32 s10, $0x1;
	s10 =	sld [smem:$0x3FB6]  }
0x3d: {  	_ =	shalt  }
0x3e: {  	_ =	shalt  }
0x3f: {  	_ =	shalt  }
0x40: {  	_ =	shalt  }
0x41: {  	_ =	shalt  }
0x42: {  	_ =	shalt  }
0x43: {  	_ =	shalt  }
0x44: {  	_ =	shalt  }
0x45: {  	_ =	shalt  }
0x46: {  	_ =	shalt  }
0x47: {  	_ =	shalt  }
0x48: {  	_ =	shalt  }
0x49: {  	_ =	shalt  }
0x4a: {  	_ =	shalt  }
0x4b: {  	_ =	shalt  }
0x4c: {  	_ =	shalt  }
0x4d: {  	_ =	shalt  }
0x4e: {  	_ =	shalt  }
0x4f: {  	_ =	shalt  }
0x50: {  	_ =	shalt  }
0x51: {  	_ =	shalt  }
0x52: {  	_ =	shalt  }
0x53: {  	_ =	shalt  }
0x54: {  	_ =	shalt  }
0x55: {  	_ =	shalt  }
0x56: {  	_ =	shalt  }
0x57: {  	_ =	shalt  }
0x58: {  	_ =	shalt  }
0x59: {  	_ =	shalt  }
0x5a: {  	_ =	shalt  }
0x5b: {  	_ =	shalt  }
0x5c: {  	_ =	shalt  }
0x5d: {  	_ =	shalt  }
0x5e: {  	_ =	shalt  }
0x5f: {  	_ =	shalt  }
0x60: {  	_ =	shalt  }
0x61: {  	_ =	shalt  }
0x62: {  	_ =	shalt  }
0x63: {  	_ =	shalt  }
0x64: {  	_ =	shalt  }
0x65: {  	_ =	shalt  }
0x66: {  	_ =	shalt  }
0x67: {  	_ =	shalt  }
0x68: {  	_ =	shalt  }
0x69: {  	_ =	shalt  }
0x6a: {  	_ =	shalt  }
0x6b: {  	_ =	shalt  }
0x6c: {  	_ =	shalt  }
0x6d: {  	_ =	shalt  }
0x6e: {  	_ =	shalt  }
0x6f: {  	_ =	shalt  }
0x70: {  	_ =	shalt  }
0x71: {  	_ =	shalt  }
0x72: {  	_ =	shalt  }
0x73: {  	_ =	shalt  }
0x74: {  	_ =	shalt  }
0x75: {  	_ =	shalt  }
0x76: {  	_ =	shalt  }
0x77: {  	_ =	shalt  }
0x78: {  	_ =	shalt  }
0x79: {  	_ =	shalt  }
0x7a: {  	_ =	shalt  }
0x7b: {  	_ =	shalt  }
0x7c: {  	_ =	shalt  }
0x7d: {  	_ =	shalt  }
0x7e: {  	_ =	shalt  }
0x7f: {  	_ =	shalt  }
0x80: {  	_ =	shalt  }
0x81: {  	_ =	shalt  }
0x82: {  	_ =	shalt  }
0x83: {  	_ =	shalt  }
0x84: {  	_ =	shalt  }
0x85: {  	_ =	shalt  }
0x86: {  	_ =	shalt  }
0x87: {  	_ =	shalt  }
.Lfunc_end0:
.L_simem_size_0:
called_computation.1_lowered:
.L_overlay_start_0:
0x88: {  	s2 =	sld [smem:$0x3FD9]  }
0x89: {  	s3 =	sld [smem:$0x3FFE];
	_ =	sdelay $0x1  }
0x8a: {  	s1 =	srdreg.scid  }
0x8b: {  	s0 =	sand.u32 $0x1, s1  }
0x8c: {  	s17 =	sshll.u32 s0, $0xA;
	s2 =	sadd.s32 s3, s2  }
0x8d: {  	s2 =	sadd.s32 s2, s17  }
0x8e: {  	[smem:$0x3FC2] =	sst s2  }
0x8f: {  	_ = 	snop  }
0x90: {  	s2 =	sld [smem:$0x3FD0];
	(tm) =	ssettm $0x1  }
0x91: {  	s18 =	sld [smem:$0x3FFB];
	_ =	sdelay $0x3  }
0x92: {  	_ =	strace s18  }
0x93: {  	s3 =	sld [smem:$0x3FFC];
	_ =	sdelay $0x3  }
0x94: {  	_ =	strace s3  }
0x95: {  	s3 =	sld [smem:$0x3FFD];
	_ =	sdelay $0x3  }
0x96: {  	_ =	strace s3  }
0x97: {  	_ =	strace $0x8FFFFFFF  }
0x98: {  	s19 =	sld [smem:$0x3FDB];
	_ =	sdelay $0x1  }
0x99: {  	s4 =	simm.s32 $_scs_section_size  }
0x9a: {  	s5 =	simm.s32 $_size__tile_overlayer_lowered;
	s6 =	simm.s32 $_tile_overlayer_lowered  }
0x9b: {  	s22 =	simm.s32 $0x1BFF;
	s21 =	sshll.u32 s6, $0x1;
	s3 =	sadd.s32 s4, s19  }
0x9c: {  	s7 =	simm.s32 $0x0;
	s20 =	sshll.u32 s5, $0x1;
	s5 =	sadd.s32 s21, s3  }
0x9d: {  	[timem:s7], [sflag:s22] =	dma.local [hbm:s5], s20  }
0x9e: {  	_ =	swait.ge [sflag:s22], s20  }
0x9f: {  	s4 =	ssub.s32 $0x0, s20;
	[sflag:s22] =	ssyncset.done $0x0  }
0xa0: {  	[sflag:s22] =	ssyncadd.s32 s4;
	_ =	sdelay $0x1  }
0xa1: {  	s23 =	simm.s32 $0x1B8B  }
0xa2: {  	_ =	swait.ge [sflag:s23], $0x1  }
0xa3: {  	[sflag:s23] =	ssyncset.done $0x0  }
0xa4: {  	s25 =	simm.s32 $0x1B8E;
	s24 =	sld [smem:$0x3FFE];
	[sflag:s23] =	ssyncadd.s32 $0xFFFFFFFF  }
0xa5: {  	s26 =	simm.s32 $execute0_lowered;
	[smem:$0x3FD2] =	sst s25  }
0xa6: {  	s5 =	sshll.u32 s26, $0x1;
	_ =	strace $0x80000049;
	[dreg:$0x1] =	wrdreg $0xFFFFFFFF  }
0xa7: {  	s28 =	simm.s32 $_size_execute0_lowered;
	s3 =	sadd.s32 s3, s5;
	[dreg:$0x0] =	wrdreg $0x0  }
0xa8: {  	s5 =	sshll.u32 s28, $0x1;
	[dreg:$0x2] =	wrdreg s3  }
0xa9: {  	[dreg:$0x3] =	wrdreg s5  }
0xaa: {  	[dreg:$0x4] =	wrdreg $0xC0  }
0xab: {  	_ =	task [dreg:s7], $0x5FFFF  }
0xac: {  	[dreg:$0x1] =	wrdreg $0xFFFFFFFF  }
0xad: {  	[dreg:$0x0] =	wrdreg $0x60  }
0xae: {  	[dreg:$0x2] =	wrdreg s24  }
0xaf: {  	[dreg:$0x3] =	wrdreg s2  }
0xb0: {  	[dreg:$0x4] =	wrdreg $0x90000  }
0xb1: {  	[dreg:$0x5] =	wrdreg $0x9  }
0xb2: {  	_ =	task.clear_ibuf [dreg:s7], $0x6FFFF;
	_ =	strace $0x90000049  }
0xb3: {  	s29 =	simm.s32 $0x9;
	_ =	strace $0x8000004B  }
0xb4: {  	_ =	swait.ge [sflag:s29], $0x1  }
0xb5: {  	[sflag:s29] =	ssyncadd.s32 $0xFFFFFFFF  }
0xb6: {  	_ =	strace $0x9000004B  }
0xb7: {  	_ =	sfence  }
0xb8: {  	s30 =	sld [smem:$0x0];
	_ =	sdelay $0x2  }
0xb9: {  	s31 =	sshll.u32 s1, $0xD;
	s1 =	sshrl.u32 s1, $0x2  }
0xba: {  	s3 =	sand.u32 $0x4000, s31;
	s1 =	sadd.s32 s1, s30  }
0xbb: {  	s0 =	sor.u32 s3, s0;
	s1 =	sshll.u32 s1, $0x11  }
0xbc: {  	s0 =	sor.u32 s1, s0  }
0xbd: {  	s0 =	sadd.s32 $0x8F2B, s0  }
0xbe: {  	[sflag:s0] =	ssyncadd.remote.s32 $0x1  }
0xbf: {  	_ =	sfence.sel $0xFFFF  }
0xc0: {  	[dreg:$0x0] =	wrdreg $0xFFFFFFFF;
	(pc) =	sbr.abs _section_cstart, $3  }
0xc1: {  	[dreg:$0x1] =	wrdreg $0xFFFFFFFF  }
0xc2: {  	_ =	task.clear_ibuf [dreg:s7], $0x2FFFF;
	_ =	strace $0x9FFFFFFF  }
0xc3: {  	(tm) =	ssettm $0x7FFFFFFF  }
tec
execute0_lowered:
.L_overlay_start_1:
0x0: {  	(tag) =	ssettag $0x1  }
0x1: {  	s5 =	rddreg [dreg:$0x0]  }
0x2: {  	s6 =	rddreg [dreg:$0x1]  }
0x3: {  	s2 =	rddreg [dreg:$0x2];
	s3 =	srdreg.scid  }
0x4: {  	s0 =	rddreg [dreg:$0x3];
	s1 =	stileid.u32;
	s14 =	simm.s32 $0x80  }
0x5: {  	s15 =	simm.s32 $0x5000;
	s16 =	simm.s32 $0x7000;
	s17 =	simm.s32 $0x1  }
0x6: {  	s18 =	simm.s32 $0x2;
	s19 =	simm.s32 $0x4F00;
	s20 =	simm.s32 $0x4F80  }
0x7: {  	s21 =	simm.s32 $0x0;
	s7 =	sand.u32 $0x1, s3;
	s8 =	smul.u32 $0x13C0, s1  }
0x8: {  	s3 =	simm.s32 $0x0;
	s28 =	smul.u32 $0x9E00, s1;
	s31 =	sshll.u32 s1, $0x6  }
0x9: {  	s4 =	sshll.u32 s7, $0x4;
	[smem:$0x7FF] =	sst s3;
	s10 =	smul.u32 $0x13C00, s7  }
0xa: {  	s7 =	ssub.s32 $0x2, s7;
	s9 =	sor.u32 s1, s4;
	_ =	strace $0x8000004A  }
0xb: {  	s4 =	sadd.s32 $0x2000, s5;
	s29 =	sshrl.u32 s7, $0x1;
	s30 =	sshrl.u32 s28, $0x3  }
0xc: {  	s9 =	smul.u32 $0x500, s9;
	s8 =	sadd.s32 s8, s10;
	s12 =	ssub.s32 s7, s29  }
0xd: {  	s13 =	sadd.s32 s28, s2;
	s11 =	sadd.s32 s8, s5;
	s10 =	smax.u32 s12, $0x1  }
0xe: {  	s12 =	simm.s32 $0x3;
	s9 =	sadd.s32 s9, s5;
	s5 =	sadd.s32 s6, s30  }
0xf: {  	s6 =	sor.u32 $0x1C03, s31;
	s7 =	sadd.s32 $0x29200, s9;
	s8 =	sadd.s32 $0x33200, s9  }
0x10: {  	s9 =	sadd.s32 $0x8B600, s11;
	s11 =	sshrl.u32 s13, $0x3;
	s13 =	simm.s32 $0x2800  }
.LBB2_1:
0x11: {  	[spmem:s11], [sflag:s6] =	dma.local [hbm:s5], $0x13C0  }
0x12: {  	_ =	swait.ge [sflag:s12], $0x13C0  }
0x13: {  	[sflag:s12] =	ssyncset.done $0x0  }
0x14: {  	[sflag:s12] =	ssyncadd.s32 $0xFFFFEC40  }
0x15: {  	[tilespmem:s3], [sflag:$0x3] =	stream.linear.gather [hbm4b:s7+s3], $0x2800, $0x38;
	[tilespmem:$0x12E00] =	vst v63  }
0x16: {  	_ =	swait.ge [sflag:s12], $0x2800  }
0x17: {  	[sflag:s12] =	ssyncset.done $0x0  }
0x18: {  	[sflag:s12] =	ssyncadd.s32 $0xFFFFD800  }
0x19: {  	[tilespmem:s13], [sflag:$0x3] =	stream.linear.gather [hbm4b:s8+s3], $0x2800, $0x38;
	[tilespmem:$0x12E00] =	vst v63  }
0x1a: {  	_ =	swait.ge [sflag:s12], $0x2800  }
0x1b: {  	[sflag:s12] =	ssyncset.done $0x0  }
0x1c: {  	[sflag:s12] =	ssyncadd.s32 $0xFFFFD800  }
0x1d: {  	[bflag:$0x0] =	sbarrier.arrive $0xFFFF  }
0x1e: {  	[tilespmem:s15], [sflag:$0x1] =	stream.indirect.gather [hbm4b:s4+s14], $0x40, s3, s14, $0xb8;
	[tilespmem:$0x12E00] =	vst v63  }
0x1f: {  	_ = 	snop  }
0x20: {  	[tilespmem:s16], [sflag:$0x2] =	stream.indirect.gather [hbm4b:s4+s14], $0x40, s14, s14, $0xb8;
	[tilespmem:$0x12E00] =	vst v63  }
0x21: {  	_ =	swait.ge [sflag:s17], $0x2000  }
0x22: {  	[sflag:s17] =	ssyncset.done $0x0  }
0x23: {  	s22 =	simm.s32 $0x2800;
	[sflag:s17] =	ssyncadd.s32 $0xFFFFE000  }
0x24: {  	[spmem:s2] =	stream.indirect.scatter.add.f32 [tilespmem:s15], [sflag:$0x3], $0x40, s22, s14, $0xb8;
	[tilespmem:$0x12E00] =	vst v63  }
0x25: {  	_ =	swait.ge [sflag:s12], $0x2000  }
0x26: {  	[sflag:s12] =	ssyncset.done $0x0  }
0x27: {  	s30 =	simm.s32 $0x100;
	[sflag:s12] =	ssyncadd.s32 $0xFFFFE000  }
0x28: {  	[tilespmem:s15], [sflag:$0x1] =	stream.indirect.gather [hbm4b:s4+s14], $0x40, s30, s14, $0xb8;
	[tilespmem:$0x12E00] =	vst v63  }
0x29: {  	_ =	swait.ge [sflag:s18], $0x2000  }
0x2a: {  	[sflag:s18] =	ssyncset.done $0x0  }
0x2b: {  	s31 =	simm.s32 $0x2880;
	[sflag:s18] =	ssyncadd.s32 $0xFFFFE000  }
0x2c: {  	[spmem:s2] =	stream.indirect.scatter.add.f32 [tilespmem:s16], [sflag:$0x3], $0x40, s31, s14, $0xb8;
	[tilespmem:$0x12E00] =	vst v63  }
0x2d: {  	_ =	swait.ge [sflag:s12], $0x2000  }
0x2e: {  	[sflag:s12] =	ssyncset.done $0x0  }
0x2f: {  	s23 =	simm.s32 $0x180;
	s22 =	simm.s32 $0x400;
	[sflag:s12] =	ssyncadd.s32 $0xFFFFE000  }
.LBB2_2:
0x30: {  	[tilespmem:s16], [sflag:$0x2] =	stream.indirect.gather [hbm4b:s4+s14], $0x40, s23, s14, $0xb8;
	[tilespmem:$0x12E00] =	vst v63  }
0x31: {  	s23 =	smov.u32 s22  }
0x32: {  	p0 =	sne.s32 s22, $0x9800;
	s22 =	sadd.s32 $0x400, s22;
	_ =	swait.ge [sflag:s17], $0x2000  }
0x33: {  	s23 =	sshra.s32 s23, $0x2;
	[sflag:s17] =	ssyncset.done $0x0  }
0x34: {  	s24 =	sadd.s32 $0x2800, s23;
	[sflag:s17] =	ssyncadd.s32 $0xFFFFE000  }
0x35: {  	[spmem:s2] =	stream.indirect.scatter.add.f32 [tilespmem:s15], [sflag:$0x3], $0x40, s24, s14, $0xb8;
	[tilespmem:$0x12E00] =	vst v63  }
0x36: {  	_ =	swait.ge [sflag:s12], $0x2000  }
0x37: {  	[sflag:s12] =	ssyncset.done $0x0  }
0x38: {  	s24 =	sadd.s32 $0x100, s23;
	[sflag:s12] =	ssyncadd.s32 $0xFFFFE000  }
0x39: {  	[tilespmem:s15], [sflag:$0x1] =	stream.indirect.gather [hbm4b:s4+s14], $0x40, s24, s14, $0xb8;
	[tilespmem:$0x12E00] =	vst v63  }
0x3a: {  	_ =	swait.ge [sflag:s18], $0x2000  }
0x3b: {  	[sflag:s18] =	ssyncset.done $0x0  }
.Ltmp0:
0x3c: {  	s24 =	sadd.s32 $0x2880, s23;
	[sflag:s18] =	ssyncadd.s32 $0xFFFFE000;
	(pc) =	sbr.rel @p0 .LBB2_2-.Ltmp0, $4  }
0x3d: {  	[spmem:s2] =	stream.indirect.scatter.add.f32 [tilespmem:s16], [sflag:$0x3], $0x40, s24, s14, $0xb8;
	[tilespmem:$0x12E00] =	vst v63  }
0x3e: {  	_ =	swait.ge [sflag:s12], $0x2000  }
0x3f: {  	[sflag:s12] =	ssyncset.done $0x0  }
0x40: {  	s23 =	sadd.s32 $0x180, s23;
	[sflag:s12] =	ssyncadd.s32 $0xFFFFE000  }
0x41: {  	[tilespmem:s16], [sflag:$0x2] =	stream.indirect.gather [hbm4b:s4+s14], $0x40, s23, s14, $0xb8;
	[tilespmem:$0x12E00] =	vst v63  }
0x42: {  	_ =	swait.ge [sflag:s17], $0x2000  }
0x43: {  	[sflag:s17] =	ssyncset.done $0x0  }
0x44: {  	[sflag:s17] =	ssyncadd.s32 $0xFFFFE000  }
0x45: {  	[spmem:s2] =	stream.indirect.scatter.add.f32 [tilespmem:s15], [sflag:$0x3], $0x40, s19, s14, $0xb8;
	[tilespmem:$0x12E00] =	vst v63  }
0x46: {  	_ =	swait.ge [sflag:s12], $0x2000  }
0x47: {  	[sflag:s12] =	ssyncset.done $0x0  }
0x48: {  	[sflag:s12] =	ssyncadd.s32 $0xFFFFE000  }
0x49: {  	_ =	swait.ge [sflag:s18], $0x2000  }
0x4a: {  	[sflag:s18] =	ssyncset.done $0x0  }
0x4b: {  	[sflag:s18] =	ssyncadd.s32 $0xFFFFE000  }
0x4c: {  	[spmem:s2] =	stream.indirect.scatter.add.f32 [tilespmem:s16], [sflag:$0x3], $0x40, s20, s14, $0xb8;
	[tilespmem:$0x12E00] =	vst v63  }
0x4d: {  	_ =	swait.ge [sflag:s12], $0x2000  }
0x4e: {  	s21 =	sadd.s32 $0x1, s21;
	[sflag:s12] =	ssyncset.done $0x0  }
0x4f: {  	p0 =	sne.s32 s21, s10;
	[sflag:s12] =	ssyncadd.s32 $0xFFFFE000  }
.Ltmp1:
0x50: {  	[bflag:$0x0] =	sbarrier.arrive $0xFFFF;
	(pc) =	sbr.rel @p0 .LBB2_1-.Ltmp1, $4  }
0x51: {  	[hbm:s9], [sflag:s6] =	dma.local [spmem:s11], $0x13C0  }
0x52: {  	_ =	swait.ge [sflag:s12], $0x13C0  }
0x53: {  	[sflag:s12] =	ssyncset.done $0x0  }
0x54: {  	[sflag:s12] =	ssyncadd.s32 $0xFFFFEC40  }
0x55: {  	_ =	sfence.sel $0x180000  }
0x56: {  	[bflag:$0x0] =	sbarrier.arrive $0xFFFF  }
0x57: {  	p0 =	sne.s32 s1, $0x0;
	_ =	strace $0x9000004A  }
0x58: {  	s0 =	sadd.s32 @!p0 $0x100000, s0;
	[bflag:$0x2] =	sbarrier.arrive $0xFFFF  }
0x59: {  	[sflag:s0] =	ssyncadd.tile.s32 @!p0 $0x1;
	_ =	shalt  }
.Lfunc_end2:
_tile_overlayer_lowered:
.L_overlay_start_2:
0x5a: {  	(tag) =	ssettag $0x2  }
0x5b: {  	s0 =	rddreg [dreg:$0x0];
	s2 =	stileid.u32  }
0x5c: {  	s1 =	rddreg [dreg:$0x1];
	p0 =	sne.s32 s2, $0x0  }
0x5d: {  	s3 =	rddreg [dreg:$0x2];
	[bflag:$0x3] =	sbarrier.arrive $0xFFFF;
	s2 =	simm.s32 @!p0 $0x1C03  }
0x5e: {  	[timem:s3], [sflag:s2] =	dma.local @!p0 [hbm:s0], s1  }
0x5f: {  	s0 =	simm.s32 @!p0 $0x3  }
0x60: {  	_ =	swait.ge @!p0 [sflag:s0], s1  }
0x61: {  	s1 =	ssub.s32 @!p0 $0x0, s1;
	[sflag:s0] =	ssyncset.done @!p0 $0x0  }
0x62: {  	[sflag:s0] =	ssyncadd.s32 @!p0 s1  }
0x63: {  	[bflag:$0x3] =	sbarrier.arrive $0xFFFF  }
0x64: {  	_ =	shalt  }

// kernel: kernel.7.cloned.1.call-start
scs
__scs_entry_jumppad:
0x0: {  	(pc) =	sbr.rel $0x88, $3  }
0x1: {  	(tag) =	ssettag $0x0;
	lr =	simm.s32 $0x1  }
0x2: {  	[smem:$0x3F9B] =	sst lr;
	_ =	strace $0xD0000000  }
0x3: {  	_ = 	snop  }
0x4: {  	_ = 	snop  }
0x5: {  	_ = 	snop  }
0x6: {  	_ = 	snop  }
0x7: {  	_ = 	snop  }
__scs_overlays_trampoline_lowered:
0x8: {  	[smem:$0x3FAA] =	sst s0  }
0x9: {  	[smem:$0x3FAB] =	sst s1  }
0xa: {  	[smem:$0x3FAC] =	sst s2  }
0xb: {  	[smem:$0x3FAD] =	sst s3  }
0xc: {  	[smem:$0x3FAE] =	sst s4  }
0xd: {  	[smem:$0x3FAF] =	sst s5  }
0xe: {  	[smem:$0x3FB0] =	sst s6  }
0xf: {  	[smem:$0x3FB1] =	sst s7  }
0x10: {  	[smem:$0x3FB2] =	sst s8  }
0x11: {  	[smem:$0x3FB3] =	sst s9;
	s0 =	simm.s32 @!p0 $0x0  }
0x12: {  	s1 =	sld [smem:$0x3F99];
	s0 =	simm.s32 @p0 $0x1  }
0x13: {  	[smem:$0x3FB4] =	sst s0;
	s0 =	simm.s32 @!p1 $0x0  }
0x14: {  	s2 =	sld [smem:$0x3F98];
	s0 =	simm.s32 @p1 $0x1  }
0x15: {  	[smem:$0x3FB5] =	sst s0;
	s0 =	simm.s32 @!p2 $0x0  }
0x16: {  	s3 =	sld [smem:$0x3FDB];
	s0 =	simm.s32 @p2 $0x1  }
0x17: {  	s4 =	simm.s32 $0x1BF5;
	[smem:$0x3FB7] =	sst s0  }
0x18: {  	s0 =	sld [smem:$0x3F9A];
	_ =	swait.ge [sflag:s4], $0x0  }
0x19: {  	s7 =	sld [smem:$0x3F9B]  }
0x1a: {  	s8 =	sadd.s32 $0xFFFFE003, lr  }
0x1b: {  	s9 =	sadd.s32 $0xFFFFFEF7, lr;
	s5 =	simm.s32 $0xFFFFFFFF;
	p2 =	slt.u32 s8, $0xFFFFF086  }
0x1c: {  	p1 =	slt.u32 s9, $0xF7A;
	s5 =	simm.s32 @!p2 $0x0  }
0x1d: {  	s5 =	simm.s32 @p1 $0x1;
	p0 =	seq.s32 s7, s2  }
0x1e: {  	s7 =	smul.u32 @!p0 $0xF7A, s2;
	p2 =	seq.s32 @!p0 s5, $0x0  }
0x1f: {  	s9 =	smul.u32 $0xF7A, s1;
	s8 =	simm.s32 @!p0 $0x1BF5;
	p2 =	por !p2, p0  }
0x20: {  	[sflag:s8] =	ssyncset.s32 @!p0 $0xFFFFF086;
	s6 =	sadd.s32 @!p0 s3, s7;
	s7 =	simm.s32 @!p0 $0x108  }
0x21: {  	s3 =	sadd.s32 s3, s9;
	s6 =	sadd.s32 @!p0 $0x88, s6;
	s7 =	simm.s32 @p2 $0x1082  }
0x22: {  	[simem:s7], [sflag:s8] =	dma.local @!p0 [hbm:s6], $0xF7A  }
0x23: {  	s9 =	sor.u32 $0xD0000000, s2;
	s6 =	simm.s32 $0x108;
	_ =	swait.ge @!p0 [sflag:s8], $0x0  }
0x24: {  	s3 =	sadd.s32 $0x88, s3;
	s6 =	simm.s32 @!p1 $0x1082;
	[sflag:s4] =	ssyncset.s32 $0xFFFFF086  }
0x25: {  	[simem:s6], [sflag:s4] =	dma.local [hbm:s3], $0xF7A  }
0x26: {  	[smem:$0x3F9B] =	sst s1;
	(tag) =	ssettag s2;
	_ =	strace s9  }
0x27: {  	s1 =	sld [smem:$0x3FAB]  }
0x28: {  	s2 =	sld [smem:$0x3FAC]  }
0x29: {  	s4 =	sld [smem:$0x3FAE]  }
0x2a: {  	p0 =	seq.s32 s5, $0x0;
	s5 =	sld [smem:$0x3FAF]  }
0x2b: {  	s6 =	sld [smem:$0x3FB0]  }
0x2c: {  	s7 =	sld [smem:$0x3FB1]  }
0x2d: {  	s3 =	simm.s32 $0x108;
	s8 =	sld [smem:$0x3FB2]  }
0x2e: {  	s3 =	simm.s32 @!p0 $0x1082;
	s9 =	sld [smem:$0x3FB3]  }
0x2f: {  	lr =	sadd.s32 s0, s3;
	s0 =	sld [smem:$0x3FAA]  }
0x30: {  	s3 =	sld [smem:$0x3FAD]  }
0x31: {  	[smem:$0x3FB6] =	sst s10  }
0x32: {  	s10 =	sld [smem:$0x3FB4];
	_ =	sdelay $0x3  }
0x33: {  	p0 =	seq.s32 s10, $0x1;
	s10 =	sld [smem:$0x3FB6];
	_ =	sdelay $0x3  }
0x34: {  	[smem:$0x3FB6] =	sst s10  }
0x35: {  	s10 =	sld [smem:$0x3FB5];
	_ =	sdelay $0x3  }
0x36: {  	p1 =	seq.s32 s10, $0x1;
	s10 =	sld [smem:$0x3FB6];
	_ =	sdelay $0x3  }
0x37: {  	[smem:$0x3FB6] =	sst s10  }
0x38: {  	s10 =	sld [smem:$0x3FB7]  }
0x39: {  	_ = 	snop;
	(pc) =	sbr.ind lr, $3  }
0x3a: {  	_ = 	snop  }
0x3b: {  	_ = 	snop  }
0x3c: {  	p2 =	seq.s32 s10, $0x1;
	s10 =	sld [smem:$0x3FB6]  }
0x3d: {  	_ =	shalt  }
0x3e: {  	_ =	shalt  }
0x3f: {  	_ =	shalt  }
0x40: {  	_ =	shalt  }
0x41: {  	_ =	shalt  }
0x42: {  	_ =	shalt  }
0x43: {  	_ =	shalt  }
0x44: {  	_ =	shalt  }
0x45: {  	_ =	shalt  }
0x46: {  	_ =	shalt  }
0x47: {  	_ =	shalt  }
0x48: {  	_ =	shalt  }
0x49: {  	_ =	shalt  }
0x4a: {  	_ =	shalt  }
0x4b: {  	_ =	shalt  }
0x4c: {  	_ =	shalt  }
0x4d: {  	_ =	shalt  }
0x4e: {  	_ =	shalt  }
0x4f: {  	_ =	shalt  }
0x50: {  	_ =	shalt  }
0x51: {  	_ =	shalt  }
0x52: {  	_ =	shalt  }
0x53: {  	_ =	shalt  }
0x54: {  	_ =	shalt  }
0x55: {  	_ =	shalt  }
0x56: {  	_ =	shalt  }
0x57: {  	_ =	shalt  }
0x58: {  	_ =	shalt  }
0x59: {  	_ =	shalt  }
0x5a: {  	_ =	shalt  }
0x5b: {  	_ =	shalt  }
0x5c: {  	_ =	shalt  }
0x5d: {  	_ =	shalt  }
0x5e: {  	_ =	shalt  }
0x5f: {  	_ =	shalt  }
0x60: {  	_ =	shalt  }
0x61: {  	_ =	shalt  }
0x62: {  	_ =	shalt  }
0x63: {  	_ =	shalt  }
0x64: {  	_ =	shalt  }
0x65: {  	_ =	shalt  }
0x66: {  	_ =	shalt  }
0x67: {  	_ =	shalt  }
0x68: {  	_ =	shalt  }
0x69: {  	_ =	shalt  }
0x6a: {  	_ =	shalt  }
0x6b: {  	_ =	shalt  }
0x6c: {  	_ =	shalt  }
0x6d: {  	_ =	shalt  }
0x6e: {  	_ =	shalt  }
0x6f: {  	_ =	shalt  }
0x70: {  	_ =	shalt  }
0x71: {  	_ =	shalt  }
0x72: {  	_ =	shalt  }
0x73: {  	_ =	shalt  }
0x74: {  	_ =	shalt  }
0x75: {  	_ =	shalt  }
0x76: {  	_ =	shalt  }
0x77: {  	_ =	shalt  }
0x78: {  	_ =	shalt  }
0x79: {  	_ =	shalt  }
0x7a: {  	_ =	shalt  }
0x7b: {  	_ =	shalt  }
0x7c: {  	_ =	shalt  }
0x7d: {  	_ =	shalt  }
0x7e: {  	_ =	shalt  }
0x7f: {  	_ =	shalt  }
0x80: {  	_ =	shalt  }
0x81: {  	_ =	shalt  }
0x82: {  	_ =	shalt  }
0x83: {  	_ =	shalt  }
0x84: {  	_ =	shalt  }
0x85: {  	_ =	shalt  }
0x86: {  	_ =	shalt  }
0x87: {  	_ =	shalt  }
.Lfunc_end0:
.L_simem_size_0:
called_computation_lowered:
.L_overlay_start_0:
0x88: {  	s2 =	sld [smem:$0x3FD9]  }
0x89: {  	s3 =	sld [smem:$0x3FFE];
	_ =	sdelay $0x1  }
0x8a: {  	s1 =	srdreg.scid  }
0x8b: {  	s0 =	sand.u32 $0x1, s1  }
0x8c: {  	s17 =	sshll.u32 s0, $0xA;
	s2 =	sadd.s32 s3, s2  }
0x8d: {  	s2 =	sadd.s32 s2, s17  }
0x8e: {  	[smem:$0x3FC2] =	sst s2  }
0x8f: {  	_ = 	snop  }
0x90: {  	s2 =	sld [smem:$0x3FD0];
	(tm) =	ssettm $0x1  }
0x91: {  	s18 =	sld [smem:$0x3FFB];
	_ =	sdelay $0x3  }
0x92: {  	_ =	strace s18  }
0x93: {  	s3 =	sld [smem:$0x3FFC];
	_ =	sdelay $0x3  }
0x94: {  	_ =	strace s3  }
0x95: {  	s3 =	sld [smem:$0x3FFD];
	_ =	sdelay $0x3  }
0x96: {  	_ =	strace s3  }
0x97: {  	_ =	strace $0x8FFFFFFF  }
0x98: {  	s19 =	sld [smem:$0x3FDB];
	_ =	sdelay $0x1  }
0x99: {  	s4 =	simm.s32 $_scs_section_size  }
0x9a: {  	s5 =	simm.s32 $_size__tile_overlayer_lowered;
	s6 =	simm.s32 $_tile_overlayer_lowered  }
0x9b: {  	s22 =	simm.s32 $0x1BFF;
	s21 =	sshll.u32 s6, $0x1;
	s3 =	sadd.s32 s4, s19  }
0x9c: {  	s7 =	simm.s32 $0x0;
	s20 =	sshll.u32 s5, $0x1;
	s5 =	sadd.s32 s21, s3  }
0x9d: {  	[timem:s7], [sflag:s22] =	dma.local [hbm:s5], s20  }
0x9e: {  	_ =	swait.ge [sflag:s22], s20  }
0x9f: {  	s4 =	ssub.s32 $0x0, s20;
	[sflag:s22] =	ssyncset.done $0x0  }
0xa0: {  	[sflag:s22] =	ssyncadd.s32 s4;
	_ =	sdelay $0x1  }
0xa1: {  	s23 =	simm.s32 $0x1B8B  }
0xa2: {  	_ =	swait.ge [sflag:s23], $0x1  }
0xa3: {  	[sflag:s23] =	ssyncset.done $0x0  }
0xa4: {  	s25 =	simm.s32 $0x1B8E;
	s24 =	sld [smem:$0x3FFE];
	[sflag:s23] =	ssyncadd.s32 $0xFFFFFFFF  }
0xa5: {  	s26 =	simm.s32 $execute0_lowered;
	[smem:$0x3FD2] =	sst s25  }
0xa6: {  	s5 =	sshll.u32 s26, $0x1;
	_ =	strace $0x80000046;
	[dreg:$0x1] =	wrdreg $0xFFFFFFFF  }
0xa7: {  	s28 =	simm.s32 $_size_execute0_lowered;
	s3 =	sadd.s32 s3, s5;
	[dreg:$0x0] =	wrdreg $0x0  }
0xa8: {  	s5 =	sshll.u32 s28, $0x1;
	[dreg:$0x2] =	wrdreg s3  }
0xa9: {  	[dreg:$0x3] =	wrdreg s5  }
0xaa: {  	[dreg:$0x4] =	wrdreg $0xC0  }
0xab: {  	_ =	task [dreg:s7], $0x5FFFF  }
0xac: {  	[dreg:$0x1] =	wrdreg $0xFFFFFFFF  }
0xad: {  	[dreg:$0x0] =	wrdreg $0x60  }
0xae: {  	[dreg:$0x2] =	wrdreg s24  }
0xaf: {  	[dreg:$0x3] =	wrdreg s2  }
0xb0: {  	[dreg:$0x4] =	wrdreg $0x98000  }
0xb1: {  	[dreg:$0x5] =	wrdreg $0x1D4000  }
0xb2: {  	[dreg:$0x6] =	wrdreg $0x9  }
0xb3: {  	_ =	task.clear_ibuf [dreg:s7], $0x7FFFF;
	_ =	strace $0x90000046  }
0xb4: {  	s29 =	simm.s32 $0x9;
	_ =	strace $0x80000048  }
0xb5: {  	_ =	swait.ge [sflag:s29], $0x1  }
0xb6: {  	[sflag:s29] =	ssyncadd.s32 $0xFFFFFFFF  }
0xb7: {  	_ =	strace $0x90000048  }
0xb8: {  	_ =	sfence  }
0xb9: {  	s30 =	sld [smem:$0x0];
	_ =	sdelay $0x2  }
0xba: {  	s31 =	sshll.u32 s1, $0xD;
	s1 =	sshrl.u32 s1, $0x2  }
0xbb: {  	s3 =	sand.u32 $0x4000, s31;
	s1 =	sadd.s32 s1, s30  }
0xbc: {  	s0 =	sor.u32 s3, s0;
	s1 =	sshll.u32 s1, $0x11  }
0xbd: {  	s0 =	sor.u32 s1, s0  }
0xbe: {  	s0 =	sadd.s32 $0x8F2B, s0  }
0xbf: {  	[sflag:s0] =	ssyncadd.remote.s32 $0x1  }
0xc0: {  	_ =	sfence.sel $0xFFFF  }
0xc1: {  	[dreg:$0x0] =	wrdreg $0xFFFFFFFF;
	(pc) =	sbr.abs _section_cstart, $3  }
0xc2: {  	[dreg:$0x1] =	wrdreg $0xFFFFFFFF  }
0xc3: {  	_ =	task.clear_ibuf [dreg:s7], $0x2FFFF;
	_ =	strace $0x9FFFFFFF  }
0xc4: {  	(tm) =	ssettm $0x7FFFFFFF  }
0xc5: {  	_ =	shalt  }
tec
execute0_lowered:
.L_overlay_start_1:
0x0: {  	(tag) =	ssettag $0x1  }
0x1: {  	s7 =	rddreg [dreg:$0x0]  }
0x2: {  	s13 =	rddreg [dreg:$0x1]  }
0x3: {  	s0 =	srdreg.scid;
	s2 =	rddreg [dreg:$0x2]  }
0x4: {  	s3 =	rddreg [dreg:$0x3];
	s6 =	sand.u32 $0x1, s0;
	s0 =	stileid.u32  }
0x5: {  	s4 =	simm.s32 $0x0;
	s20 =	simm.s32 $0x80;
	s9 =	smul.u32 $0x13C00, s0  }
0x6: {  	s21 =	simm.s32 $0x5000;
	s22 =	simm.s32 $0x1;
	s10 =	smul.u32 $0x2780, s0  }
0x7: {  	s23 =	simm.s32 $0x0;
	[smem:$0x7FF] =	sst s4;
	s11 =	smul.u32 $0x278, s0  }
0x8: {  	s5 =	sadd.s32 $0x2000, s7;
	s1 =	sshll.u32 s6, $0x4;
	s14 =	smul.u32 $0x2780, s6  }
0x9: {  	s30 =	ssub.s32 $0x2, s6;
	s6 =	sadd.s32 $0x69A00, s7;
	s1 =	sor.u32 s0, s1  }
0xa: {  	s31 =	sshll.u32 s0, $0x6;
	s17 =	sshrl.u32 s30, $0x1;
	s8 =	smul.u32 $0x500, s1  }
0xb: {  	s1 =	rddreg [dreg:$0x4];
	_ =	strace $0x80000047;
	s12 =	sshrl.u32 s9, $0x3  }
0xc: {  	s29 =	sshrl.u32 s10, $0x3;
	s14 =	sadd.s32 s11, s14;
	s17 =	ssub.s32 s30, s17  }
0xd: {  	s18 =	sadd.s32 s9, s2;
	s19 =	sadd.s32 s10, s3;
	s28 =	sadd.s32 s12, s7  }
0xe: {  	s12 =	sadd.s32 s29, s7;
	s16 =	sshll.u32 s14, $0x4;
	s14 =	sshll.u32 s14, $0x1  }
0xf: {  	s15 =	sadd.s32 s8, s7;
	s16 =	sadd.s32 s16, s7;
	s7 =	sadd.s32 $0x3D200, s28  }
0x10: {  	s8 =	sor.u32 $0x1C02, s31;
	s9 =	sadd.s32 $0x64A00, s12;
	s13 =	sadd.s32 s13, s14  }
0x11: {  	s14 =	smax.u32 s17, $0x1;
	s17 =	sshrl.u32 s19, $0x3;
	s19 =	simm.s32 $0x2800  }
0x12: {  	s10 =	sadd.s32 $0x29200, s15;
	s11 =	sadd.s32 $0x33200, s15;
	s12 =	sadd.s32 $0x69C00, s16  }
0x13: {  	s15 =	sshrl.u32 s18, $0x3;
	s16 =	simm.s32 $0x2;
	s18 =	simm.s32 $0x9000  }
.LBB2_1:
0x14: {  	[spmem:s15], [sflag:s8] =	dma.local [hbm:s7], $0x2780  }
0x15: {  	_ =	swait.ge [sflag:s16], $0x2780  }
0x16: {  	[sflag:s16] =	ssyncset.done $0x0  }
0x17: {  	[sflag:s16] =	ssyncadd.s32 $0xFFFFD880  }
0x18: {  	[spmem:s17], [sflag:s8] =	dma.local [hbm:s9], $0x4F0  }
0x19: {  	_ =	swait.ge [sflag:s16], $0x4F0  }
0x1a: {  	[sflag:s16] =	ssyncset.done $0x0  }
0x1b: {  	[sflag:s16] =	ssyncadd.s32 $0xFFFFFB10  }
0x1c: {  	[tilespmem:s18], [sflag:$0x2] =	stream.linear.gather [hbm4b:s6+s4], $0x800, $0x38;
	[tilespmem:$0x1FB80] =	vst v63  }
0x1d: {  	_ =	swait.ge [sflag:s16], $0x800  }
0x1e: {  	[sflag:s16] =	ssyncset.done $0x0  }
0x1f: {  	[sflag:s16] =	ssyncadd.s32 $0xFFFFF800  }
0x20: {  	[tilespmem:s4], [sflag:$0x2] =	stream.linear.gather [hbm4b:s10+s4], $0x2800, $0x38;
	[tilespmem:$0x1FB80] =	vst v63  }
0x21: {  	_ =	swait.ge [sflag:s16], $0x2800  }
0x22: {  	[sflag:s16] =	ssyncset.done $0x0  }
0x23: {  	[sflag:s16] =	ssyncadd.s32 $0xFFFFD800  }
0x24: {  	[tilespmem:s19], [sflag:$0x2] =	stream.linear.gather [hbm4b:s11+s4], $0x2800, $0x38;
	[tilespmem:$0x1FB80] =	vst v63  }
0x25: {  	_ =	swait.ge [sflag:s16], $0x2800  }
0x26: {  	[sflag:s16] =	ssyncset.done $0x0  }
0x27: {  	[sflag:s16] =	ssyncadd.s32 $0xFFFFD800  }
0x28: {  	s24 =	simm.s32 $0x0;
	[bflag:$0x0] =	sbarrier.arrive $0xFFFF  }
0x29: {  	[tilespmem:s21], [sflag:$0x1] =	stream.indirect.gather [hbm4b:s5+s20], $0x80, s24, s20, $0xb8;
	[tilespmem:$0x1FB80] =	vst v63  }
0x2a: {  	_ =	swait.ge [sflag:s22], $0x4000  }
0x2b: {  	[sflag:s22] =	ssyncset.done $0x0  }
0x2c: {  	s31 =	simm.s32 $0x2800;
	[sflag:s22] =	ssyncadd.s32 $0xFFFFC000  }
0x2d: {  	[spmem:s2] =	stream.indirect.scatter.add.f32 [tilespmem:s21], [sflag:$0x2], $0x80, s31, s20, $0xb8;
	[tilespmem:$0x1FB80] =	vst v63  }
0x2e: {  	_ =	swait.ge [sflag:s16], $0x4000  }
0x2f: {  	[sflag:s16] =	ssyncset.done $0x0  }
0x30: {  	[sflag:s16] =	ssyncadd.s32 $0xFFFFC000  }
0x31: {  	[spmem:s3] =	stream.indirect.scatter.add.f32 [tilespmem:s18], [sflag:$0x2], $0x10, s31, s20, $0xb8;
	[tilespmem:$0x1FB80] =	vst v63  }
0x32: {  	_ =	swait.ge [sflag:s16], $0x800  }
0x33: {  	s25 =	simm.s32 $0x400;
	s24 =	simm.s32 $0x200;
	[sflag:s16] =	ssyncset.done $0x0  }
.LBB2_2:
0x34: {  	s26 =	sshra.s32 s24, $0x2  }
0x35: {  	[sflag:s16] =	ssyncadd.s32 $0xFFFFF800;
	s24 =	smov.u32 s25;
	s28 =	sadd.s32 $0x200, s25  }
0x36: {  	[tilespmem:s21], [sflag:$0x1] =	stream.indirect.gather [hbm4b:s5+s20], $0x80, s26, s20, $0xb8;
	[tilespmem:$0x1FB80] =	vst v63  }
0x37: {  	p0 =	sne.s32 s25, $0x9E00;
	_ =	swait.ge [sflag:s22], $0x4000  }
0x38: {  	[sflag:s22] =	ssyncset.done $0x0  }
0x39: {  	s25 =	sadd.s32 $0x2800, s26;
	[sflag:s22] =	ssyncadd.s32 $0xFFFFC000  }
0x3a: {  	[spmem:s2] =	stream.indirect.scatter.add.f32 [tilespmem:s21], [sflag:$0x2], $0x80, s25, s20, $0xb8;
	[tilespmem:$0x1FB80] =	vst v63  }
0x3b: {  	_ =	swait.ge [sflag:s16], $0x4000  }
.Ltmp0:
0x3c: {  	[sflag:s16] =	ssyncset.done $0x0;
	(pc) =	sbr.rel @p0 .LBB2_2-.Ltmp0, $4  }
0x3d: {  	[sflag:s16] =	ssyncadd.s32 $0xFFFFC000  }
0x3e: {  	[spmem:s3] =	stream.indirect.scatter.add.f32 [tilespmem:s18], [sflag:$0x2], $0x10, s25, s20, $0xb8;
	[tilespmem:$0x1FB80] =	vst v63  }
0x3f: {  	_ =	swait.ge [sflag:s16], $0x800  }
0x40: {  	s25 =	smov.u32 s28;
	[sflag:s16] =	ssyncset.done $0x0  }
0x41: {  	s24 =	sshra.s32 s24, $0x2;
	[sflag:s16] =	ssyncadd.s32 $0xFFFFF800  }
0x42: {  	[tilespmem:s21], [sflag:$0x1] =	stream.indirect.gather [hbm4b:s5+s20], $0x80, s24, s20, $0xb8;
	[tilespmem:$0x1FB80] =	vst v63  }
0x43: {  	_ =	swait.ge [sflag:s22], $0x4000  }
0x44: {  	[sflag:s22] =	ssyncset.done $0x0  }
0x45: {  	s24 =	sadd.s32 $0x2800, s24;
	[sflag:s22] =	ssyncadd.s32 $0xFFFFC000  }
0x46: {  	[spmem:s2] =	stream.indirect.scatter.add.f32 [tilespmem:s21], [sflag:$0x2], $0x80, s24, s20, $0xb8;
	[tilespmem:$0x1FB80] =	vst v63  }
0x47: {  	_ =	swait.ge [sflag:s16], $0x4000  }
0x48: {  	[sflag:s16] =	ssyncset.done $0x0  }
0x49: {  	[sflag:s16] =	ssyncadd.s32 $0xFFFFC000  }
0x4a: {  	[spmem:s3] =	stream.indirect.scatter.add.f32 [tilespmem:s18], [sflag:$0x2], $0x10, s24, s20, $0xb8;
	[tilespmem:$0x1FB80] =	vst v63  }
0x4b: {  	_ =	swait.ge [sflag:s16], $0x800  }
0x4c: {  	[sflag:s16] =	ssyncset.done $0x0  }
0x4d: {  	[sflag:s16] =	ssyncadd.s32 $0xFFFFF800  }
0x4e: {  	[bflag:$0x0] =	sbarrier.arrive $0xFFFF  }
0x4f: {  	[hbm:s12], [sflag:s8] =	dma.local [spmem:s15], $0x2780  }
0x50: {  	s23 =	sadd.s32 $0x1, s23;
	_ =	swait.ge [sflag:s16], $0x2780  }
0x51: {  	p0 =	sne.s32 s23, s14;
	[sflag:s16] =	ssyncset.done $0x0  }
.Ltmp1:
0x52: {  	[sflag:s16] =	ssyncadd.s32 $0xFFFFD880;
	(pc) =	sbr.rel @p0 .LBB2_1-.Ltmp1, $4  }
0x53: {  	[hbm:s13], [sflag:s8] =	dma.local [spmem:s17], $0x4F0  }
0x54: {  	_ =	swait.ge [sflag:s16], $0x4F0  }
0x55: {  	[sflag:s16] =	ssyncset.done $0x0  }
0x56: {  	[sflag:s16] =	ssyncadd.s32 $0xFFFFFB10  }
0x57: {  	_ =	sfence.sel $0x180000  }
0x58: {  	[bflag:$0x0] =	sbarrier.arrive $0xFFFF  }
0x59: {  	p0 =	sne.s32 s0, $0x0;
	_ =	strace $0x90000047  }
0x5a: {  	s0 =	sadd.s32 @!p0 $0x100000, s1;
	[bflag:$0x2] =	sbarrier.arrive $0xFFFF  }
0x5b: {  	[sflag:s0] =	ssyncadd.tile.s32 @!p0 $0x1;
	_ =	shalt  }
.Lfunc_end2:
_tile_overlayer_lowered:
.L_overlay_start_2:
0x5c: {  	(tag) =	ssettag $0x2  }
0x5d: {  	s0 =	rddreg [dreg:$0x0];
	s2 =	stileid.u32  }
0x5e: {  	s1 =	rddreg [dreg:$0x1];
	p0 =	sne.s32 s2, $0x0  }
0x5f: {  	s3 =	rddreg [dreg:$0x2];
	[bflag:$0x3] =	sbarrier.arrive $0xFFFF;
	s2 =	simm.s32 @!p0 $0x1C02  }
0x60: {  	[timem:s3], [sflag:s2] =	dma.local @!p0 [hbm:s0], s1  }
0x61: {  	s0 =	simm.s32 @!p0 $0x2  }
0x62: {  	_ =	swait.ge @!p0 [sflag:s0], s1  }
0x63: {  	s1 =	ssub.s32 @!p0 $0x0, s1;
	[sflag:s0] =	ssyncset.done @!p0 $0x0  }
0x64: {  	[sflag:s0] =	ssyncadd.s32 @!p0 s1  }
0x65: {  	[bflag:$0x3] =	sbarrier.arrive $0xFFFF  }
0x66: {  	_ =	shalt  }

</sc_bundles>
